<compile_context>
chip_gen: v7x
topology: tpu7x:2x2x1
jax: 0.10.2.dev20260603
libtpu: 0.0.44.dev20260713+nightly
codegen_flags: <defaults>
</compile_context>

<pallas_src>
import functools

import jax
import jax.numpy as jnp
from jax import lax
from jax.experimental import pallas as pl
from jax.experimental.pallas import tpu as pltpu
from jax.experimental.pallas import tpu_sc as plsc

N_NODES = 10000
D_IN = 128
D_OUT = 128

N_ACC = 10240
NC = 2
NS = 16
NW = NC * NS
CHUNK = 128
IDXG = 8
LANES = 16
TC_BLK = 2048


def _sc_segment_sums(features, src_r, tgt_r, n_chunks):
    mesh = plsc.VectorSubcoreMesh(
        core_axis_name="c", subcore_axis_name="s", num_cores=NC, num_subcores=NS)

    rows_per_tile = N_ACC // NS

    @functools.partial(
        pl.kernel,
        out_type=(jax.ShapeDtypeStruct((NC, N_ACC, D_IN), jnp.float32),
                  jax.ShapeDtypeStruct((NW, 1, N_ACC), jnp.float32)),
        mesh=mesh,
        compiler_params=pltpu.CompilerParams(needs_layout_passes=False),
        scratch_types=[
            pltpu.VMEM((2 * IDXG, CHUNK), jnp.int32),
            pltpu.VMEM((2 * IDXG, CHUNK), jnp.int32),
            pltpu.VMEM((CHUNK, D_IN), jnp.float32),
            pltpu.VMEM((CHUNK, D_IN), jnp.float32),
            pltpu.VMEM((N_ACC,), jnp.float32),
            pltpu.VMEM_SHARED((N_ACC, D_IN), jnp.float32),
            pltpu.SemaphoreType.DMA,
            pltpu.SemaphoreType.DMA,
            pltpu.SemaphoreType.DMA,
        ],
    )
    def seg_kernel(feat_hbm, src_hbm, tgt_hbm, sums_hbm, cnt_hbm,
                   src_v, tgt_v, rows_a, rows_b, cnt_v, acc_sh,
                   sem_a, sem_b, sem_i):
        c = lax.axis_index("c")
        s = lax.axis_index("s")
        wid = c * NS + s
        n_groups = n_chunks // IDXG

        def refill(g, h):
            pltpu.async_copy(src_hbm.at[wid, pl.ds(g * IDXG, IDXG)],
                             src_v.at[pl.ds(h * IDXG, IDXG)], sem_i)
            pltpu.async_copy(tgt_hbm.at[wid, pl.ds(g * IDXG, IDXG)],
                             tgt_v.at[pl.ds(h * IDXG, IDXG)], sem_i)

        def wait_refill(g, h):
            pltpu.make_async_copy(src_hbm.at[wid, pl.ds(g * IDXG, IDXG)],
                                  src_v.at[pl.ds(h * IDXG, IDXG)], sem_i).wait()
            pltpu.make_async_copy(tgt_hbm.at[wid, pl.ds(g * IDXG, IDXG)],
                                  tgt_v.at[pl.ds(h * IDXG, IDXG)], sem_i).wait()

        refill(0, 0)

        zeros16 = jnp.zeros((LANES,), jnp.float32)
        ones16 = jnp.ones((LANES,), jnp.float32)

        def zero_cnt(i, carry):
            cnt_v[pl.ds(i * LANES, LANES)] = zeros16
            return carry

        lax.fori_loop(0, N_ACC // LANES, zero_cnt, 0)

        def zero_row(i, carry):
            for j in range(D_IN // LANES):
                rows_a[i, pl.ds(j * LANES, LANES)] = zeros16
            return carry

        lax.fori_loop(0, CHUNK, zero_row, 0)
        for k in range(rows_per_tile // CHUNK):
            pltpu.sync_copy(
                rows_a, acc_sh.at[pl.ds(s * rows_per_tile + k * CHUNK, CHUNK)])
        plsc.subcore_barrier()

        def histo(t):
            for k in range(CHUNK // LANES):
                idx = src_v[t, pl.ds(k * LANES, LANES)]
                plsc.addupdate_scatter(cnt_v, [idx], ones16)

        def group_body(g, carry):
            h = lax.rem(g, 2)
            base = h * IDXG
            wait_refill(g, h)

            @pl.when(g + 1 < n_groups)
            def _():
                refill(g + 1, 1 - h)

            pltpu.async_copy(feat_hbm.at[tgt_v.at[base]], rows_a, sem_a)
            for p in range(IDXG // 2):
                t = base + 2 * p
                pltpu.make_async_copy(
                    feat_hbm.at[tgt_v.at[t]], rows_a, sem_a).wait()
                pltpu.async_copy(feat_hbm.at[tgt_v.at[t + 1]], rows_b, sem_b)
                pltpu.sync_copy(rows_a, acc_sh.at[src_v.at[t]], add=True)
                histo(t)
                pltpu.make_async_copy(
                    feat_hbm.at[tgt_v.at[t + 1]], rows_b, sem_b).wait()
                if 2 * p + 2 < IDXG:
                    pltpu.async_copy(
                        feat_hbm.at[tgt_v.at[t + 2]], rows_a, sem_a)
                pltpu.sync_copy(rows_b, acc_sh.at[src_v.at[t + 1]], add=True)
                histo(t + 1)
            return carry

        lax.fori_loop(0, n_groups, group_body, 0)
        plsc.subcore_barrier()

        pltpu.sync_copy(cnt_v, cnt_hbm.at[wid, 0])
        pltpu.sync_copy(
            acc_sh.at[pl.ds(s * rows_per_tile, rows_per_tile)],
            sums_hbm.at[c, pl.ds(s * rows_per_tile, rows_per_tile)])

    return seg_kernel(features, src_r, tgt_r)


def _tc_combine(features, weight, sums, counts):
    blk = TC_BLK
    grid = -(-N_NODES // blk)

    def tc_body(feat_ref, w_ref, p_ref, c_ref, out_ref):
        w = w_ref[...]
        nodes = jnp.dot(feat_ref[...], w, preferred_element_type=jnp.float32)
        p = p_ref[0] + p_ref[1]
        cnt = jnp.sum(c_ref[:, 0, :], axis=0)
        mean = p / jnp.maximum(cnt, 1.0)[:, None]
        agg = jnp.dot(mean, w, preferred_element_type=jnp.float32)
        out_ref[...] = jnp.concatenate([nodes, agg], axis=1)

    return pl.pallas_call(
        tc_body,
        grid=(grid,),
        in_specs=[
            pl.BlockSpec((blk, D_IN), lambda i: (i, 0)),
            pl.BlockSpec((D_IN, D_OUT), lambda i: (0, 0)),
            pl.BlockSpec((NC, blk, D_IN), lambda i: (0, i, 0)),
            pl.BlockSpec((NW, 1, blk), lambda i: (0, 0, i)),
        ],
        out_specs=pl.BlockSpec((blk, 2 * D_OUT), lambda i: (i, 0)),
        out_shape=jax.ShapeDtypeStruct((N_NODES, 2 * D_OUT), jnp.float32),
    )(features, weight, sums, counts)


def kernel(features, edge_source, edge_target, weight):
    n_edges = edge_source.shape[0]
    k = -(-n_edges // NW)
    gpad = NW * k - n_edges
    src1 = jnp.concatenate(
        [edge_source, jnp.full((gpad,), N_NODES, jnp.int32)]).reshape(NW, k)
    tgt1 = jnp.concatenate(
        [edge_target, jnp.zeros((gpad,), jnp.int32)]).reshape(NW, k)

    per_w = -(-k // (IDXG * CHUNK)) * IDXG * CHUNK
    n_chunks = per_w // CHUNK
    wpad = per_w - k
    dummy = (N_NODES
             + jnp.arange(wpad, dtype=jnp.int32) % (N_ACC - N_NODES))
    src_r = jnp.concatenate(
        [src1, jnp.broadcast_to(dummy, (NW, wpad))], axis=1).reshape(
            NW, n_chunks, CHUNK)
    tgt_r = jnp.concatenate(
        [tgt1, jnp.zeros((NW, wpad), jnp.int32)], axis=1).reshape(
            NW, n_chunks, CHUNK)

    sums, counts = _sc_segment_sums(features, src_r, tgt_r, n_chunks)
    return _tc_combine(features, weight, sums, counts)

# --- scband reference (transcript-rebuilt; emitter-appended) ---
"""Pipeline reference for scband-graph-conv1-15470472200484 (READ-ONLY COPY).

The authoritative reference and input builder live on the scoring server;
editing this copy changes nothing except your own understanding.
"""

import jax, jax.numpy as jnp
import numpy as np

N_NODES = 10000
N_EDGES = 320000
D_IN = 128
D_OUT = 128


def setup_inputs(seed: int = 0) -> dict:
    key = jax.random.key(seed)
    k1, k2, k3, k4 = jax.random.split(key, 4)
    features = jax.random.normal(k1, (N_NODES, D_IN), dtype=jnp.float32)
    edge_source = jax.random.randint(k2, (N_EDGES,), 0, N_NODES, dtype=jnp.int32)
    edge_target = jax.random.randint(k3, (N_EDGES,), 0, N_NODES, dtype=jnp.int32)
    # glorot_uniform init for the shared weight matrix
    limit = float(np.sqrt(6.0 / (D_IN + D_OUT)))
    weight = jax.random.uniform(k4, (D_IN, D_OUT), minval=-limit, maxval=limit, dtype=jnp.float32)
    return {"features": features, "edge_source": edge_source, "edge_target": edge_target, "weight": weight}


def _unsorted_segment_mean(data, segment_ids, num_segments):
    sums = jax.ops.segment_sum(data, segment_ids, num_segments=num_segments)
    counts = jax.ops.segment_sum(jnp.ones((data.shape[0],), dtype=data.dtype), segment_ids, num_segments=num_segments)
    return sums / jnp.maximum(counts, 1.0)[:, None]


def reference(features, edge_source, edge_target, weight):
    # compute_nodes_representation: features @ W
    nodes_repr = jnp.matmul(features, weight)
    # compute_aggregated_messages: gather neighbour features by edge_target,
    # unsorted_segment_mean keyed by edge_source, then @ W
    neighbour_representations = jnp.take(features, edge_target, axis=0)
    aggregated = _unsorted_segment_mean(neighbour_representations, edge_source, N_NODES)
    agg_msgs = jnp.matmul(aggregated, weight)
    # update: combination_type='concat', activation=None (linear)
    out = jnp.concatenate([nodes_repr, agg_msgs], axis=-1)
    return out

if __name__ == "__main__":
    import jax
    _d = setup_inputs()
    print(jax.jit(kernel)(*tuple(_d.values())))

</pallas_src>

<mosaic_0001>
#map = affine_map<(d0, d1) -> (0, 0)>
#map1 = affine_map<(d0, d1) -> (0, 0, 0)>
module attributes {stable_mosaic.version = 14 : i64} {
  func.func @seg_kernel(%arg0: i32, %arg1: i32, %arg2: memref<10000x128xf32, #tpu.memory_space<hbm>>, %arg3: memref<32x80x128xi32, #tpu.memory_space<hbm>>, %arg4: memref<32x80x128xi32, #tpu.memory_space<hbm>>, %arg5: memref<2x10240x128xf32, #tpu.memory_space<hbm>>, %arg6: memref<32x1x10240xf32, #tpu.memory_space<hbm>>, %arg7: memref<16x128xi32, #tpu.memory_space<vmem>>, %arg8: memref<16x128xi32, #tpu.memory_space<vmem>>, %arg9: memref<128x128xf32, #tpu.memory_space<vmem>>, %arg10: memref<128x128xf32, #tpu.memory_space<vmem>>, %arg11: memref<10240xf32, #tpu.memory_space<vmem>>, %arg12: memref<10240x128xf32, #tpu.memory_space<vmem_shared>>, %arg13: memref<!tpu.dma_semaphore, #tpu.memory_space<semaphore_mem>>, %arg14: memref<!tpu.dma_semaphore, #tpu.memory_space<semaphore_mem>>, %arg15: memref<!tpu.dma_semaphore, #tpu.memory_space<semaphore_mem>>) attributes {dimension_semantics = [#tpu.dimension_semantics<core_parallel>, #tpu.dimension_semantics<subcore_parallel>], iteration_bounds = array<i64: 2, 16>, scalar_prefetch = 0 : i64, scratch_operands = 9 : i64, tpu.core_type = #tpu.core_type<sc_vector_subcore>, window_params = [{transform_indices = #map}, {transform_indices = #map1}, {transform_indices = #map1}, {transform_indices = #map1}, {transform_indices = #map1}]} {
    %mul3A = arith.constant 16 : i32
    %mul3A_0 = arith.muli %arg0, %mul3A : i32
    %add3A = arith.addi %mul3A_0, %arg1 : i32
    %dma_start3A = arith.constant 0 : i32
    %dma_start3A_1 = arith.constant 0 : i32
    %dma_start3A_2 = tpu.memref_slice %arg7[%dma_start3A, %dma_start3A_1] : memref<16x128xi32, #tpu.memory_space<vmem>> -> memref<8x128xi32, #tpu.memory_space<vmem>>
    %dma_start3A_3 = arith.constant 0 : i32
    %dma_start3A_4 = arith.constant 0 : i32
    %dma_start3A_5 = tpu.memref_slice %arg3[%add3A, %dma_start3A_3, %dma_start3A_4] : memref<32x80x128xi32, #tpu.memory_space<hbm>> -> memref<1x8x128xi32, #tpu.memory_space<hbm>>
    %dma_start3A_6 = tpu.memref_squeeze %dma_start3A_5 : memref<1x8x128xi32, #tpu.memory_space<hbm>> -> memref<8x128xi32, #tpu.memory_space<hbm>>
    %dma_start3A_7 = arith.constant 0 : i32
    %dma_start3A_8 = arith.constant 0 : i32
    %dma_start3A_9 = tpu.memref_slice %arg7[%dma_start3A_7, %dma_start3A_8] : memref<16x128xi32, #tpu.memory_space<vmem>> -> memref<8x128xi32, #tpu.memory_space<vmem>>
    %dma_start3A_10 = arith.constant 0 : i32
    %dma_start3A_11 = arith.constant 0 : i32
    %dma_start3A_12 = tpu.memref_slice %arg3[%add3A, %dma_start3A_10, %dma_start3A_11] : memref<32x80x128xi32, #tpu.memory_space<hbm>> -> memref<1x8x128xi32, #tpu.memory_space<hbm>>
    %dma_start3A_13 = tpu.memref_squeeze %dma_start3A_12 : memref<1x8x128xi32, #tpu.memory_space<hbm>> -> memref<8x128xi32, #tpu.memory_space<hbm>>
    tpu.enqueue_dma source(%dma_start3A_13 : memref<8x128xi32, #tpu.memory_space<hbm>>) target(%dma_start3A_9 : memref<8x128xi32, #tpu.memory_space<vmem>>) target_semaphore(%arg15 : memref<!tpu.dma_semaphore, #tpu.memory_space<semaphore_mem>>)
    %dma_start3A_14 = arith.constant 0 : i32
    %dma_start3A_15 = arith.constant 0 : i32
    %dma_start3A_16 = tpu.memref_slice %arg8[%dma_start3A_14, %dma_start3A_15] : memref<16x128xi32, #tpu.memory_space<vmem>> -> memref<8x128xi32, #tpu.memory_space<vmem>>
    %dma_start3A_17 = arith.constant 0 : i32
    %dma_start3A_18 = arith.constant 0 : i32
    %dma_start3A_19 = tpu.memref_slice %arg4[%add3A, %dma_start3A_17, %dma_start3A_18] : memref<32x80x128xi32, #tpu.memory_space<hbm>> -> memref<1x8x128xi32, #tpu.memory_space<hbm>>
    %dma_start3A_20 = tpu.memref_squeeze %dma_start3A_19 : memref<1x8x128xi32, #tpu.memory_space<hbm>> -> memref<8x128xi32, #tpu.memory_space<hbm>>
    %dma_start3A_21 = arith.constant 0 : i32
    %dma_start3A_22 = arith.constant 0 : i32
    %dma_start3A_23 = tpu.memref_slice %arg8[%dma_start3A_21, %dma_start3A_22] : memref<16x128xi32, #tpu.memory_space<vmem>> -> memref<8x128xi32, #tpu.memory_space<vmem>>
    %dma_start3A_24 = arith.constant 0 : i32
    %dma_start3A_25 = arith.constant 0 : i32
    %dma_start3A_26 = tpu.memref_slice %arg4[%add3A, %dma_start3A_24, %dma_start3A_25] : memref<32x80x128xi32, #tpu.memory_space<hbm>> -> memref<1x8x128xi32, #tpu.memory_space<hbm>>
    %dma_start3A_27 = tpu.memref_squeeze %dma_start3A_26 : memref<1x8x128xi32, #tpu.memory_space<hbm>> -> memref<8x128xi32, #tpu.memory_space<hbm>>
    tpu.enqueue_dma source(%dma_start3A_27 : memref<8x128xi32, #tpu.memory_space<hbm>>) target(%dma_start3A_23 : memref<8x128xi32, #tpu.memory_space<vmem>>) target_semaphore(%arg15 : memref<!tpu.dma_semaphore, #tpu.memory_space<semaphore_mem>>)
    %broadcast_in_dim3A = arith.constant 0.000000e+00 : f32
    %broadcast_in_dim3A_28 = vector.broadcast %broadcast_in_dim3A : f32 to vector<16xf32>
    %broadcast_in_dim3A_29 = arith.constant 1.000000e+00 : f32
    %broadcast_in_dim3A_30 = vector.broadcast %broadcast_in_dim3A_29 : f32 to vector<16xf32>
    %scan3A = arith.constant 0 : i32
    %scan3A_31 = arith.constant 0 : i32
    %scan3A_32 = arith.constant 640 : i32
    %scan3A_33 = arith.addi %scan3A_31, %scan3A_32 : i32
    %scan3A_34 = arith.constant 1 : i32
    scf.for %scan3A_73 = %scan3A_31 to %scan3A_33 step %scan3A_34  : i32 {
      %mul3A_74 = arith.constant 16 : i32
      %mul3A_75 = arith.muli %scan3A_73, %mul3A_74 : i32
      %swap3A = arith.index_cast %mul3A_75 : i32 to index
      %swap3A_76 = tpu.vector_load %arg11[%swap3A] {strides = array<i32>} : memref<10240xf32, #tpu.memory_space<vmem>>, vector<16xf32>,
      tpu.vector_store %arg11[%swap3A], %broadcast_in_dim3A_28 {strides = array<i32>} : memref<10240xf32, #tpu.memory_space<vmem>>, vector<16xf32>,
    }
    %scan3A_35 = arith.constant 640 : i32
    %scan3A_36 = arith.constant 0 : i32
    %scan3A_37 = arith.constant 0 : i32
    %scan3A_38 = arith.constant 128 : i32
    %scan3A_39 = arith.addi %scan3A_37, %scan3A_38 : i32
    %scan3A_40 = arith.constant 1 : i32
    scf.for %scan3A_73 = %scan3A_37 to %scan3A_39 step %scan3A_40  : i32 {
      %swap3A = arith.index_cast %scan3A_73 : i32 to index
      %swap3A_74 = arith.constant 0 : index
      %swap3A_75 = tpu.vector_load %arg9[%swap3A, %swap3A_74] {strides = array<i32>} : memref<128x128xf32, #tpu.memory_space<vmem>>, vector<16xf32>,
      tpu.vector_store %arg9[%swap3A, %swap3A_74], %broadcast_in_dim3A_28 {strides = array<i32>} : memref<128x128xf32, #tpu.memory_space<vmem>>, vector<16xf32>,
      %swap3A_76 = arith.index_cast %scan3A_73 : i32 to index
      %swap3A_77 = arith.constant 16 : index
      %swap3A_78 = tpu.vector_load %arg9[%swap3A_76, %swap3A_77] {strides = array<i32>} : memref<128x128xf32, #tpu.memory_space<vmem>>, vector<16xf32>,
      tpu.vector_store %arg9[%swap3A_76, %swap3A_77], %broadcast_in_dim3A_28 {strides = array<i32>} : memref<128x128xf32, #tpu.memory_space<vmem>>, vector<16xf32>,
      %swap3A_79 = arith.index_cast %scan3A_73 : i32 to index
      %swap3A_80 = arith.constant 32 : index
      %swap3A_81 = tpu.vector_load %arg9[%swap3A_79, %swap3A_80] {strides = array<i32>} : memref<128x128xf32, #tpu.memory_space<vmem>>, vector<16xf32>,
      tpu.vector_store %arg9[%swap3A_79, %swap3A_80], %broadcast_in_dim3A_28 {strides = array<i32>} : memref<128x128xf32, #tpu.memory_space<vmem>>, vector<16xf32>,
      %swap3A_82 = arith.index_cast %scan3A_73 : i32 to index
      %swap3A_83 = arith.constant 48 : index
      %swap3A_84 = tpu.vector_load %arg9[%swap3A_82, %swap3A_83] {strides = array<i32>} : memref<128x128xf32, #tpu.memory_space<vmem>>, vector<16xf32>,
      tpu.vector_store %arg9[%swap3A_82, %swap3A_83], %broadcast_in_dim3A_28 {strides = array<i32>} : memref<128x128xf32, #tpu.memory_space<vmem>>, vector<16xf32>,
      %swap3A_85 = arith.index_cast %scan3A_73 : i32 to index
      %swap3A_86 = arith.constant 64 : index
      %swap3A_87 = tpu.vector_load %arg9[%swap3A_85, %swap3A_86] {strides = array<i32>} : memref<128x128xf32, #tpu.memory_space<vmem>>, vector<16xf32>,
      tpu.vector_store %arg9[%swap3A_85, %swap3A_86], %broadcast_in_dim3A_28 {strides = array<i32>} : memref<128x128xf32, #tpu.memory_space<vmem>>, vector<16xf32>,
      %swap3A_88 = arith.index_cast %scan3A_73 : i32 to index
      %swap3A_89 = arith.constant 80 : index
      %swap3A_90 = tpu.vector_load %arg9[%swap3A_88, %swap3A_89] {strides = array<i32>} : memref<128x128xf32, #tpu.memory_space<vmem>>, vector<16xf32>,
      tpu.vector_store %arg9[%swap3A_88, %swap3A_89], %broadcast_in_dim3A_28 {strides = array<i32>} : memref<128x128xf32, #tpu.memory_space<vmem>>, vector<16xf32>,
      %swap3A_91 = arith.index_cast %scan3A_73 : i32 to index
      %swap3A_92 = arith.constant 96 : index
      %swap3A_93 = tpu.vector_load %arg9[%swap3A_91, %swap3A_92] {strides = array<i32>} : memref<128x128xf32, #tpu.memory_space<vmem>>, vector<16xf32>,
      tpu.vector_store %arg9[%swap3A_91, %swap3A_92], %broadcast_in_dim3A_28 {strides = array<i32>} : memref<128x128xf32, #tpu.memory_space<vmem>>, vector<16xf32>,
      %swap3A_94 = arith.index_cast %scan3A_73 : i32 to index
      %swap3A_95 = arith.constant 112 : index
      %swap3A_96 = tpu.vector_load %arg9[%swap3A_94, %swap3A_95] {strides = array<i32>} : memref<128x128xf32, #tpu.memory_space<vmem>>, vector<16xf32>,
      tpu.vector_store %arg9[%swap3A_94, %swap3A_95], %broadcast_in_dim3A_28 {strides = array<i32>} : memref<128x128xf32, #tpu.memory_space<vmem>>, vector<16xf32>,
    }
    %scan3A_41 = arith.constant 128 : i32
    %mul3A_42 = arith.constant 640 : i32
    %mul3A_43 = arith.muli %arg1, %mul3A_42 : i32
    %add3A_44 = arith.constant 0 : i32
    %add3A_45 = arith.addi %mul3A_43, %add3A_44 : i32
    "tpu.region"() ({
      %run_scoped3A_73 = tpu.sem_alloc : memref<!tpu.dma_semaphore, #tpu.memory_space<semaphore_mem>>
      %dma_start3A_74 = arith.constant 0 : i32
      %dma_start3A_75 = tpu.memref_slice %arg12[%add3A_45, %dma_start3A_74] : memref<10240x128xf32, #tpu.memory_space<vmem_shared>> -> memref<128x128xf32, #tpu.memory_space<vmem_shared>>
      %dma_start3A_76 = arith.constant 0 : i32
      %dma_start3A_77 = tpu.memref_slice %arg12[%add3A_45, %dma_start3A_76] : memref<10240x128xf32, #tpu.memory_space<vmem_shared>> -> memref<128x128xf32, #tpu.memory_space<vmem_shared>>
      tpu.enqueue_dma source(%arg9 : memref<128x128xf32, #tpu.memory_space<vmem>>) target(%dma_start3A_77 : memref<128x128xf32, #tpu.memory_space<vmem_shared>>) target_semaphore(%run_scoped3A_73 : memref<!tpu.dma_semaphore, #tpu.memory_space<semaphore_mem>>)
      %dma_wait3A = arith.constant 0 : i32
      %dma_wait3A_78 = tpu.memref_slice %arg12[%add3A_45, %dma_wait3A] : memref<10240x128xf32, #tpu.memory_space<vmem_shared>> -> memref<128x128xf32, #tpu.memory_space<vmem_shared>>
      %dma_wait3A_79 = arith.constant 0 : i32
      %dma_wait3A_80 = tpu.memref_slice %arg12[%add3A_45, %dma_wait3A_79] : memref<10240x128xf32, #tpu.memory_space<vmem_shared>> -> memref<128x128xf32, #tpu.memory_space<vmem_shared>>
      tpu.wait_dma2 semaphore(%run_scoped3A_73 : memref<!tpu.dma_semaphore, #tpu.memory_space<semaphore_mem>>) src(%arg9 : memref<128x128xf32, #tpu.memory_space<vmem>>) dst(%dma_wait3A_80 : memref<128x128xf32, #tpu.memory_space<vmem_shared>>)
      tpu.yield
    }) : () -> ()
    %mul3A_46 = arith.constant 640 : i32
    %mul3A_47 = arith.muli %arg1, %mul3A_46 : i32
    %add3A_48 = arith.constant 128 : i32
    %add3A_49 = arith.addi %mul3A_47, %add3A_48 : i32
    "tpu.region"() ({
      %run_scoped3A_73 = tpu.sem_alloc : memref<!tpu.dma_semaphore, #tpu.memory_space<semaphore_mem>>
      %dma_start3A_74 = arith.constant 0 : i32
      %dma_start3A_75 = tpu.memref_slice %arg12[%add3A_49, %dma_start3A_74] : memref<10240x128xf32, #tpu.memory_space<vmem_shared>> -> memref<128x128xf32, #tpu.memory_space<vmem_shared>>
      %dma_start3A_76 = arith.constant 0 : i32
      %dma_start3A_77 = tpu.memref_slice %arg12[%add3A_49, %dma_start3A_76] : memref<10240x128xf32, #tpu.memory_space<vmem_shared>> -> memref<128x128xf32, #tpu.memory_space<vmem_shared>>
      tpu.enqueue_dma source(%arg9 : memref<128x128xf32, #tpu.memory_space<vmem>>) target(%dma_start3A_77 : memref<128x128xf32, #tpu.memory_space<vmem_shared>>) target_semaphore(%run_scoped3A_73 : memref<!tpu.dma_semaphore, #tpu.memory_space<semaphore_mem>>)
      %dma_wait3A = arith.constant 0 : i32
      %dma_wait3A_78 = tpu.memref_slice %arg12[%add3A_49, %dma_wait3A] : memref<10240x128xf32, #tpu.memory_space<vmem_shared>> -> memref<128x128xf32, #tpu.memory_space<vmem_shared>>
      %dma_wait3A_79 = arith.constant 0 : i32
      %dma_wait3A_80 = tpu.memref_slice %arg12[%add3A_49, %dma_wait3A_79] : memref<10240x128xf32, #tpu.memory_space<vmem_shared>> -> memref<128x128xf32, #tpu.memory_space<vmem_shared>>
      tpu.wait_dma2 semaphore(%run_scoped3A_73 : memref<!tpu.dma_semaphore, #tpu.memory_space<semaphore_mem>>) src(%arg9 : memref<128x128xf32, #tpu.memory_space<vmem>>) dst(%dma_wait3A_80 : memref<128x128xf32, #tpu.memory_space<vmem_shared>>)
      tpu.yield
    }) : () -> ()
    %mul3A_50 = arith.constant 640 : i32
    %mul3A_51 = arith.muli %arg1, %mul3A_50 : i32
    %add3A_52 = arith.constant 256 : i32
    %add3A_53 = arith.addi %mul3A_51, %add3A_52 : i32
    "tpu.region"() ({
      %run_scoped3A_73 = tpu.sem_alloc : memref<!tpu.dma_semaphore, #tpu.memory_space<semaphore_mem>>
      %dma_start3A_74 = arith.constant 0 : i32
      %dma_start3A_75 = tpu.memref_slice %arg12[%add3A_53, %dma_start3A_74] : memref<10240x128xf32, #tpu.memory_space<vmem_shared>> -> memref<128x128xf32, #tpu.memory_space<vmem_shared>>
      %dma_start3A_76 = arith.constant 0 : i32
      %dma_start3A_77 = tpu.memref_slice %arg12[%add3A_53, %dma_start3A_76] : memref<10240x128xf32, #tpu.memory_space<vmem_shared>> -> memref<128x128xf32, #tpu.memory_space<vmem_shared>>
      tpu.enqueue_dma source(%arg9 : memref<128x128xf32, #tpu.memory_space<vmem>>) target(%dma_start3A_77 : memref<128x128xf32, #tpu.memory_space<vmem_shared>>) target_semaphore(%run_scoped3A_73 : memref<!tpu.dma_semaphore, #tpu.memory_space<semaphore_mem>>)
      %dma_wait3A = arith.constant 0 : i32
      %dma_wait3A_78 = tpu.memref_slice %arg12[%add3A_53, %dma_wait3A] : memref<10240x128xf32, #tpu.memory_space<vmem_shared>> -> memref<128x128xf32, #tpu.memory_space<vmem_shared>>
      %dma_wait3A_79 = arith.constant 0 : i32
      %dma_wait3A_80 = tpu.memref_slice %arg12[%add3A_53, %dma_wait3A_79] : memref<10240x128xf32, #tpu.memory_space<vmem_shared>> -> memref<128x128xf32, #tpu.memory_space<vmem_shared>>
      tpu.wait_dma2 semaphore(%run_scoped3A_73 : memref<!tpu.dma_semaphore, #tpu.memory_space<semaphore_mem>>) src(%arg9 : memref<128x128xf32, #tpu.memory_space<vmem>>) dst(%dma_wait3A_80 : memref<128x128xf32, #tpu.memory_space<vmem_shared>>)
      tpu.yield
    }) : () -> ()
    %mul3A_54 = arith.constant 640 : i32
    %mul3A_55 = arith.muli %arg1, %mul3A_54 : i32
    %add3A_56 = arith.constant 384 : i32
    %add3A_57 = arith.addi %mul3A_55, %add3A_56 : i32
    "tpu.region"() ({
      %run_scoped3A_73 = tpu.sem_alloc : memref<!tpu.dma_semaphore, #tpu.memory_space<semaphore_mem>>
      %dma_start3A_74 = arith.constant 0 : i32
      %dma_start3A_75 = tpu.memref_slice %arg12[%add3A_57, %dma_start3A_74] : memref<10240x128xf32, #tpu.memory_space<vmem_shared>> -> memref<128x128xf32, #tpu.memory_space<vmem_shared>>
      %dma_start3A_76 = arith.constant 0 : i32
      %dma_start3A_77 = tpu.memref_slice %arg12[%add3A_57, %dma_start3A_76] : memref<10240x128xf32, #tpu.memory_space<vmem_shared>> -> memref<128x128xf32, #tpu.memory_space<vmem_shared>>
      tpu.enqueue_dma source(%arg9 : memref<128x128xf32, #tpu.memory_space<vmem>>) target(%dma_start3A_77 : memref<128x128xf32, #tpu.memory_space<vmem_shared>>) target_semaphore(%run_scoped3A_73 : memref<!tpu.dma_semaphore, #tpu.memory_space<semaphore_mem>>)
      %dma_wait3A = arith.constant 0 : i32
      %dma_wait3A_78 = tpu.memref_slice %arg12[%add3A_57, %dma_wait3A] : memref<10240x128xf32, #tpu.memory_space<vmem_shared>> -> memref<128x128xf32, #tpu.memory_space<vmem_shared>>
      %dma_wait3A_79 = arith.constant 0 : i32
      %dma_wait3A_80 = tpu.memref_slice %arg12[%add3A_57, %dma_wait3A_79] : memref<10240x128xf32, #tpu.memory_space<vmem_shared>> -> memref<128x128xf32, #tpu.memory_space<vmem_shared>>
      tpu.wait_dma2 semaphore(%run_scoped3A_73 : memref<!tpu.dma_semaphore, #tpu.memory_space<semaphore_mem>>) src(%arg9 : memref<128x128xf32, #tpu.memory_space<vmem>>) dst(%dma_wait3A_80 : memref<128x128xf32, #tpu.memory_space<vmem_shared>>)
      tpu.yield
    }) : () -> ()
    %mul3A_58 = arith.constant 640 : i32
    %mul3A_59 = arith.muli %arg1, %mul3A_58 : i32
    %add3A_60 = arith.constant 512 : i32
    %add3A_61 = arith.addi %mul3A_59, %add3A_60 : i32
    "tpu.region"() ({
      %run_scoped3A_73 = tpu.sem_alloc : memref<!tpu.dma_semaphore, #tpu.memory_space<semaphore_mem>>
      %dma_start3A_74 = arith.constant 0 : i32
      %dma_start3A_75 = tpu.memref_slice %arg12[%add3A_61, %dma_start3A_74] : memref<10240x128xf32, #tpu.memory_space<vmem_shared>> -> memref<128x128xf32, #tpu.memory_space<vmem_shared>>
      %dma_start3A_76 = arith.constant 0 : i32
      %dma_start3A_77 = tpu.memref_slice %arg12[%add3A_61, %dma_start3A_76] : memref<10240x128xf32, #tpu.memory_space<vmem_shared>> -> memref<128x128xf32, #tpu.memory_space<vmem_shared>>
      tpu.enqueue_dma source(%arg9 : memref<128x128xf32, #tpu.memory_space<vmem>>) target(%dma_start3A_77 : memref<128x128xf32, #tpu.memory_space<vmem_shared>>) target_semaphore(%run_scoped3A_73 : memref<!tpu.dma_semaphore, #tpu.memory_space<semaphore_mem>>)
      %dma_wait3A = arith.constant 0 : i32
      %dma_wait3A_78 = tpu.memref_slice %arg12[%add3A_61, %dma_wait3A] : memref<10240x128xf32, #tpu.memory_space<vmem_shared>> -> memref<128x128xf32, #tpu.memory_space<vmem_shared>>
      %dma_wait3A_79 = arith.constant 0 : i32
      %dma_wait3A_80 = tpu.memref_slice %arg12[%add3A_61, %dma_wait3A_79] : memref<10240x128xf32, #tpu.memory_space<vmem_shared>> -> memref<128x128xf32, #tpu.memory_space<vmem_shared>>
      tpu.wait_dma2 semaphore(%run_scoped3A_73 : memref<!tpu.dma_semaphore, #tpu.memory_space<semaphore_mem>>) src(%arg9 : memref<128x128xf32, #tpu.memory_space<vmem>>) dst(%dma_wait3A_80 : memref<128x128xf32, #tpu.memory_space<vmem_shared>>)
      tpu.yield
    }) : () -> ()
    %barrier3A = arith.constant 0 : index
    tpu.barrier barrier_id(%barrier3A)
    %scan3A_62 = arith.constant 0 : i32
    %scan3A_63 = arith.constant 0 : i32
    %scan3A_64 = arith.constant 10 : i32
    %scan3A_65 = arith.addi %scan3A_63, %scan3A_64 : i32
    %scan3A_66 = arith.constant 1 : i32
    scf.for %scan3A_73 = %scan3A_63 to %scan3A_65 step %scan3A_66  : i32 {
      %rem3A = arith.constant 2 : i32
      %rem3A_74 = arith.remsi %scan3A_73, %rem3A : i32
      %mul3A_75 = arith.constant 8 : i32
      %mul3A_76 = arith.muli %rem3A_74, %mul3A_75 : i32
      %mul3A_77 = arith.constant 8 : i32
      %mul3A_78 = arith.muli %scan3A_73, %mul3A_77 : i32
      %mul3A_79 = arith.constant 8 : i32
      %mul3A_80 = arith.muli %rem3A_74, %mul3A_79 : i32
      %dma_wait3A = arith.constant 0 : i32
      %dma_wait3A_81 = tpu.memref_slice %arg7[%mul3A_80, %dma_wait3A] : memref<16x128xi32, #tpu.memory_space<vmem>> -> memref<8x128xi32, #tpu.memory_space<vmem>>
      %dma_wait3A_82 = arith.constant 0 : i32
      %dma_wait3A_83 = tpu.memref_slice %arg3[%add3A, %mul3A_78, %dma_wait3A_82] : memref<32x80x128xi32, #tpu.memory_space<hbm>> -> memref<1x8x128xi32, #tpu.memory_space<hbm>>
      %dma_wait3A_84 = tpu.memref_squeeze %dma_wait3A_83 : memref<1x8x128xi32, #tpu.memory_space<hbm>> -> memref<8x128xi32, #tpu.memory_space<hbm>>
      %dma_wait3A_85 = arith.constant 0 : i32
      %dma_wait3A_86 = tpu.memref_slice %arg7[%mul3A_80, %dma_wait3A_85] : memref<16x128xi32, #tpu.memory_space<vmem>> -> memref<8x128xi32, #tpu.memory_space<vmem>>
      %dma_wait3A_87 = arith.constant 0 : i32
      %dma_wait3A_88 = tpu.memref_slice %arg3[%add3A, %mul3A_78, %dma_wait3A_87] : memref<32x80x128xi32, #tpu.memory_space<hbm>> -> memref<1x8x128xi32, #tpu.memory_space<hbm>>
      %dma_wait3A_89 = tpu.memref_squeeze %dma_wait3A_88 : memref<1x8x128xi32, #tpu.memory_space<hbm>> -> memref<8x128xi32, #tpu.memory_space<hbm>>
      tpu.wait_dma2 semaphore(%arg15 : memref<!tpu.dma_semaphore, #tpu.memory_space<semaphore_mem>>) src(%dma_wait3A_89 : memref<8x128xi32, #tpu.memory_space<hbm>>) dst(%dma_wait3A_86 : memref<8x128xi32, #tpu.memory_space<vmem>>)
      %mul3A_90 = arith.constant 8 : i32
      %mul3A_91 = arith.muli %scan3A_73, %mul3A_90 : i32
      %mul3A_92 = arith.constant 8 : i32
      %mul3A_93 = arith.muli %rem3A_74, %mul3A_92 : i32
      %dma_wait3A_94 = arith.constant 0 : i32
      %dma_wait3A_95 = tpu.memref_slice %arg8[%mul3A_93, %dma_wait3A_94] : memref<16x128xi32, #tpu.memory_space<vmem>> -> memref<8x128xi32, #tpu.memory_space<vmem>>
      %dma_wait3A_96 = arith.constant 0 : i32
      %dma_wait3A_97 = tpu.memref_slice %arg4[%add3A, %mul3A_91, %dma_wait3A_96] : memref<32x80x128xi32, #tpu.memory_space<hbm>> -> memref<1x8x128xi32, #tpu.memory_space<hbm>>
      %dma_wait3A_98 = tpu.memref_squeeze %dma_wait3A_97 : memref<1x8x128xi32, #tpu.memory_space<hbm>> -> memref<8x128xi32, #tpu.memory_space<hbm>>
      %dma_wait3A_99 = arith.constant 0 : i32
      %dma_wait3A_100 = tpu.memref_slice %arg8[%mul3A_93, %dma_wait3A_99] : memref<16x128xi32, #tpu.memory_space<vmem>> -> memref<8x128xi32, #tpu.memory_space<vmem>>
      %dma_wait3A_101 = arith.constant 0 : i32
      %dma_wait3A_102 = tpu.memref_slice %arg4[%add3A, %mul3A_91, %dma_wait3A_101] : memref<32x80x128xi32, #tpu.memory_space<hbm>> -> memref<1x8x128xi32, #tpu.memory_space<hbm>>
      %dma_wait3A_103 = tpu.memref_squeeze %dma_wait3A_102 : memref<1x8x128xi32, #tpu.memory_space<hbm>> -> memref<8x128xi32, #tpu.memory_space<hbm>>
      tpu.wait_dma2 semaphore(%arg15 : memref<!tpu.dma_semaphore, #tpu.memory_space<semaphore_mem>>) src(%dma_wait3A_103 : memref<8x128xi32, #tpu.memory_space<hbm>>) dst(%dma_wait3A_100 : memref<8x128xi32, #tpu.memory_space<vmem>>)
      %add3A_104 = arith.constant 1 : i32
      %add3A_105 = arith.addi %scan3A_73, %add3A_104 : i32
      %lt3A = arith.constant 10 : i32
      %lt3A_106 = arith.cmpi slt, %add3A_105, %lt3A : i32
      %convert_element_type3A = arith.extui %lt3A_106 : i1 to i32
      %cond3A = arith.constant 0 : i32
      %cond3A_107 = arith.cmpi ne, %convert_element_type3A, %cond3A : i32
      scf.if %cond3A_107 {
        %add3A_441 = arith.constant 1 : i32
        %add3A_442 = arith.addi %scan3A_73, %add3A_441 : i32
        %sub3A = arith.constant 1 : i32
        %sub3A_443 = arith.subi %sub3A, %rem3A_74 : i32
        %mul3A_444 = arith.constant 8 : i32
        %mul3A_445 = arith.muli %add3A_442, %mul3A_444 : i32
        %mul3A_446 = arith.constant 8 : i32
        %mul3A_447 = arith.muli %sub3A_443, %mul3A_446 : i32
        %dma_start3A_448 = arith.constant 0 : i32
        %dma_start3A_449 = tpu.memref_slice %arg7[%mul3A_447, %dma_start3A_448] : memref<16x128xi32, #tpu.memory_space<vmem>> -> memref<8x128xi32, #tpu.memory_space<vmem>>
        %dma_start3A_450 = arith.constant 0 : i32
        %dma_start3A_451 = tpu.memref_slice %arg3[%add3A, %mul3A_445, %dma_start3A_450] : memref<32x80x128xi32, #tpu.memory_space<hbm>> -> memref<1x8x128xi32, #tpu.memory_space<hbm>>
        %dma_start3A_452 = tpu.memref_squeeze %dma_start3A_451 : memref<1x8x128xi32, #tpu.memory_space<hbm>> -> memref<8x128xi32, #tpu.memory_space<hbm>>
        %dma_start3A_453 = arith.constant 0 : i32
        %dma_start3A_454 = tpu.memref_slice %arg7[%mul3A_447, %dma_start3A_453] : memref<16x128xi32, #tpu.memory_space<vmem>> -> memref<8x128xi32, #tpu.memory_space<vmem>>
        %dma_start3A_455 = arith.constant 0 : i32
        %dma_start3A_456 = tpu.memref_slice %arg3[%add3A, %mul3A_445, %dma_start3A_455] : memref<32x80x128xi32, #tpu.memory_space<hbm>> -> memref<1x8x128xi32, #tpu.memory_space<hbm>>
        %dma_start3A_457 = tpu.memref_squeeze %dma_start3A_456 : memref<1x8x128xi32, #tpu.memory_space<hbm>> -> memref<8x128xi32, #tpu.memory_space<hbm>>
        tpu.enqueue_dma source(%dma_start3A_457 : memref<8x128xi32, #tpu.memory_space<hbm>>) target(%dma_start3A_454 : memref<8x128xi32, #tpu.memory_space<vmem>>) target_semaphore(%arg15 : memref<!tpu.dma_semaphore, #tpu.memory_space<semaphore_mem>>)
        %mul3A_458 = arith.constant 8 : i32
        %mul3A_459 = arith.muli %add3A_442, %mul3A_458 : i32
        %mul3A_460 = arith.constant 8 : i32
        %mul3A_461 = arith.muli %sub3A_443, %mul3A_460 : i32
        %dma_start3A_462 = arith.constant 0 : i32
        %dma_start3A_463 = tpu.memref_slice %arg8[%mul3A_461, %dma_start3A_462] : memref<16x128xi32, #tpu.memory_space<vmem>> -> memref<8x128xi32, #tpu.memory_space<vmem>>
        %dma_start3A_464 = arith.constant 0 : i32
        %dma_start3A_465 = tpu.memref_slice %arg4[%add3A, %mul3A_459, %dma_start3A_464] : memref<32x80x128xi32, #tpu.memory_space<hbm>> -> memref<1x8x128xi32, #tpu.memory_space<hbm>>
        %dma_start3A_466 = tpu.memref_squeeze %dma_start3A_465 : memref<1x8x128xi32, #tpu.memory_space<hbm>> -> memref<8x128xi32, #tpu.memory_space<hbm>>
        %dma_start3A_467 = arith.constant 0 : i32
        %dma_start3A_468 = tpu.memref_slice %arg8[%mul3A_461, %dma_start3A_467] : memref<16x128xi32, #tpu.memory_space<vmem>> -> memref<8x128xi32, #tpu.memory_space<vmem>>
        %dma_start3A_469 = arith.constant 0 : i32
        %dma_start3A_470 = tpu.memref_slice %arg4[%add3A, %mul3A_459, %dma_start3A_469] : memref<32x80x128xi32, #tpu.memory_space<hbm>> -> memref<1x8x128xi32, #tpu.memory_space<hbm>>
        %dma_start3A_471 = tpu.memref_squeeze %dma_start3A_470 : memref<1x8x128xi32, #tpu.memory_space<hbm>> -> memref<8x128xi32, #tpu.memory_space<hbm>>
        tpu.enqueue_dma source(%dma_start3A_471 : memref<8x128xi32, #tpu.memory_space<hbm>>) target(%dma_start3A_468 : memref<8x128xi32, #tpu.memory_space<vmem>>) target_semaphore(%arg15 : memref<!tpu.dma_semaphore, #tpu.memory_space<semaphore_mem>>)
      } else {
      }
      %dma_start3A_108 = arith.constant 0 : i32
      %dma_start3A_109 = tpu.memref_slice %arg8[%mul3A_76, %dma_start3A_108] : memref<16x128xi32, #tpu.memory_space<vmem>> -> memref<1x128xi32, #tpu.memory_space<vmem>>
      %dma_start3A_110 = tpu.memref_squeeze %dma_start3A_109 : memref<1x128xi32, #tpu.memory_space<vmem>> -> memref<128xi32, #tpu.memory_space<vmem>>
      %dma_start3A_111 = arith.constant 0 : i32
      %dma_start3A_112 = arith.constant 0 : i32
      %dma_start3A_113 = tpu.memref_slice %arg2[%dma_start3A_111, %dma_start3A_112] : memref<10000x128xf32, #tpu.memory_space<hbm>> -> memref<10000x128xf32, #tpu.memory_space<hbm>>
      tpu.enqueue_indirect_dma source(%dma_start3A_113 : memref<10000x128xf32, #tpu.memory_space<hbm>>) target(%arg9 : memref<128x128xf32, #tpu.memory_space<vmem>>) offsets(%dma_start3A_110 : memref<128xi32, #tpu.memory_space<vmem>>) semaphore(%arg13 : memref<!tpu.dma_semaphore, #tpu.memory_space<semaphore_mem>>)
      %add3A_114 = arith.constant 0 : i32
      %add3A_115 = arith.addi %mul3A_76, %add3A_114 : i32
      %dma_wait3A_116 = arith.constant 0 : i32
      %dma_wait3A_117 = tpu.memref_slice %arg8[%add3A_115, %dma_wait3A_116] : memref<16x128xi32, #tpu.memory_space<vmem>> -> memref<1x128xi32, #tpu.memory_space<vmem>>
      %dma_wait3A_118 = tpu.memref_squeeze %dma_wait3A_117 : memref<1x128xi32, #tpu.memory_space<vmem>> -> memref<128xi32, #tpu.memory_space<vmem>>
      %dma_wait3A_119 = arith.constant 0 : i32
      %dma_wait3A_120 = arith.constant 0 : i32
      %dma_wait3A_121 = tpu.memref_slice %arg2[%dma_wait3A_119, %dma_wait3A_120] : memref<10000x128xf32, #tpu.memory_space<hbm>> -> memref<10000x128xf32, #tpu.memory_space<hbm>>
      tpu.wait_indirect_dma semaphore(%arg13 : memref<!tpu.dma_semaphore, #tpu.memory_space<semaphore_mem>>) src(%dma_wait3A_121 : memref<10000x128xf32, #tpu.memory_space<hbm>>) dst(%arg9 : memref<128x128xf32, #tpu.memory_space<vmem>>)
      %add3A_122 = arith.constant 1 : i32
      %add3A_123 = arith.addi %add3A_115, %add3A_122 : i32
      %dma_start3A_124 = arith.constant 0 : i32
      %dma_start3A_125 = tpu.memref_slice %arg8[%add3A_123, %dma_start3A_124] : memref<16x128xi32, #tpu.memory_space<vmem>> -> memref<1x128xi32, #tpu.memory_space<vmem>>
      %dma_start3A_126 = tpu.memref_squeeze %dma_start3A_125 : memref<1x128xi32, #tpu.memory_space<vmem>> -> memref<128xi32, #tpu.memory_space<vmem>>
      %dma_start3A_127 = arith.constant 0 : i32
      %dma_start3A_128 = arith.constant 0 : i32
      %dma_start3A_129 = tpu.memref_slice %arg2[%dma_start3A_127, %dma_start3A_128] : memref<10000x128xf32, #tpu.memory_space<hbm>> -> memref<10000x128xf32, #tpu.memory_space<hbm>>
      tpu.enqueue_indirect_dma source(%dma_start3A_129 : memref<10000x128xf32, #tpu.memory_space<hbm>>) target(%arg10 : memref<128x128xf32, #tpu.memory_space<vmem>>) offsets(%dma_start3A_126 : memref<128xi32, #tpu.memory_space<vmem>>) semaphore(%arg14 : memref<!tpu.dma_semaphore, #tpu.memory_space<semaphore_mem>>)
      "tpu.region"() ({
        %run_scoped3A_441 = tpu.sem_alloc : memref<!tpu.dma_semaphore, #tpu.memory_space<semaphore_mem>>
        %dma_start3A_442 = arith.constant 0 : i32
        %dma_start3A_443 = tpu.memref_slice %arg7[%add3A_115, %dma_start3A_442] : memref<16x128xi32, #tpu.memory_space<vmem>> -> memref<1x128xi32, #tpu.memory_space<vmem>>
        %dma_start3A_444 = tpu.memref_squeeze %dma_start3A_443 : memref<1x128xi32, #tpu.memory_space<vmem>> -> memref<128xi32, #tpu.memory_space<vmem>>
        %dma_start3A_445 = arith.constant 0 : i32
        %dma_start3A_446 = arith.constant 0 : i32
        %dma_start3A_447 = tpu.memref_slice %arg12[%dma_start3A_445, %dma_start3A_446] : memref<10240x128xf32, #tpu.memory_space<vmem_shared>> -> memref<10240x128xf32, #tpu.memory_space<vmem_shared>>
        tpu.enqueue_indirect_dma source(%arg9 : memref<128x128xf32, #tpu.memory_space<vmem>>) target(%dma_start3A_447 : memref<10240x128xf32, #tpu.memory_space<vmem_shared>>) offsets(%dma_start3A_444 : memref<128xi32, #tpu.memory_space<vmem>>) semaphore(%run_scoped3A_441 : memref<!tpu.dma_semaphore, #tpu.memory_space<semaphore_mem>>) {add = true}
        %dma_wait3A_448 = arith.constant 0 : i32
        %dma_wait3A_449 = tpu.memref_slice %arg7[%add3A_115, %dma_wait3A_448] : memref<16x128xi32, #tpu.memory_space<vmem>> -> memref<1x128xi32, #tpu.memory_space<vmem>>
        %dma_wait3A_450 = tpu.memref_squeeze %dma_wait3A_449 : memref<1x128xi32, #tpu.memory_space<vmem>> -> memref<128xi32, #tpu.memory_space<vmem>>
        %dma_wait3A_451 = arith.constant 0 : i32
        %dma_wait3A_452 = arith.constant 0 : i32
        %dma_wait3A_453 = tpu.memref_slice %arg12[%dma_wait3A_451, %dma_wait3A_452] : memref<10240x128xf32, #tpu.memory_space<vmem_shared>> -> memref<10240x128xf32, #tpu.memory_space<vmem_shared>>
        tpu.wait_indirect_dma semaphore(%run_scoped3A_441 : memref<!tpu.dma_semaphore, #tpu.memory_space<semaphore_mem>>) src(%arg9 : memref<128x128xf32, #tpu.memory_space<vmem>>) dst(%dma_wait3A_453 : memref<10240x128xf32, #tpu.memory_space<vmem_shared>>)
        tpu.yield
      }) : () -> ()
      %get3A = arith.index_cast %add3A_115 : i32 to index
      %get3A_130 = arith.constant 0 : index
      %get3A_131 = tpu.vector_load %arg7[%get3A, %get3A_130] {strides = array<i32>} : memref<16x128xi32, #tpu.memory_space<vmem>>, vector<16xi32>,
      tpu.vector_store_idx %arg11[%get3A_131], %broadcast_in_dim3A_30 {add = true} : memref<10240xf32, #tpu.memory_space<vmem>>[vector<16xi32>], vector<16xf32>,
      %get3A_132 = arith.index_cast %add3A_115 : i32 to index
      %get3A_133 = arith.constant 16 : index
      %get3A_134 = tpu.vector_load %arg7[%get3A_132, %get3A_133] {strides = array<i32>} : memref<16x128xi32, #tpu.memory_space<vmem>>, vector<16xi32>,
      tpu.vector_store_idx %arg11[%get3A_134], %broadcast_in_dim3A_30 {add = true} : memref<10240xf32, #tpu.memory_space<vmem>>[vector<16xi32>], vector<16xf32>,
      %get3A_135 = arith.index_cast %add3A_115 : i32 to index
      %get3A_136 = arith.constant 32 : index
      %get3A_137 = tpu.vector_load %arg7[%get3A_135, %get3A_136] {strides = array<i32>} : memref<16x128xi32, #tpu.memory_space<vmem>>, vector<16xi32>,
      tpu.vector_store_idx %arg11[%get3A_137], %broadcast_in_dim3A_30 {add = true} : memref<10240xf32, #tpu.memory_space<vmem>>[vector<16xi32>], vector<16xf32>,
      %get3A_138 = arith.index_cast %add3A_115 : i32 to index
      %get3A_139 = arith.constant 48 : index
      %get3A_140 = tpu.vector_load %arg7[%get3A_138, %get3A_139] {strides = array<i32>} : memref<16x128xi32, #tpu.memory_space<vmem>>, vector<16xi32>,
      tpu.vector_store_idx %arg11[%get3A_140], %broadcast_in_dim3A_30 {add = true} : memref<10240xf32, #tpu.memory_space<vmem>>[vector<16xi32>], vector<16xf32>,
      %get3A_141 = arith.index_cast %add3A_115 : i32 to index
      %get3A_142 = arith.constant 64 : index
      %get3A_143 = tpu.vector_load %arg7[%get3A_141, %get3A_142] {strides = array<i32>} : memref<16x128xi32, #tpu.memory_space<vmem>>, vector<16xi32>,
      tpu.vector_store_idx %arg11[%get3A_143], %broadcast_in_dim3A_30 {add = true} : memref<10240xf32, #tpu.memory_space<vmem>>[vector<16xi32>], vector<16xf32>,
      %get3A_144 = arith.index_cast %add3A_115 : i32 to index
      %get3A_145 = arith.constant 80 : index
      %get3A_146 = tpu.vector_load %arg7[%get3A_144, %get3A_145] {strides = array<i32>} : memref<16x128xi32, #tpu.memory_space<vmem>>, vector<16xi32>,
      tpu.vector_store_idx %arg11[%get3A_146], %broadcast_in_dim3A_30 {add = true} : memref<10240xf32, #tpu.memory_space<vmem>>[vector<16xi32>], vector<16xf32>,
      %get3A_147 = arith.index_cast %add3A_115 : i32 to index
      %get3A_148 = arith.constant 96 : index
      %get3A_149 = tpu.vector_load %arg7[%get3A_147, %get3A_148] {strides = array<i32>} : memref<16x128xi32, #tpu.memory_space<vmem>>, vector<16xi32>,
      tpu.vector_store_idx %arg11[%get3A_149], %broadcast_in_dim3A_30 {add = true} : memref<10240xf32, #tpu.memory_space<vmem>>[vector<16xi32>], vector<16xf32>,
      %get3A_150 = arith.index_cast %add3A_115 : i32 to index
      %get3A_151 = arith.constant 112 : index
      %get3A_152 = tpu.vector_load %arg7[%get3A_150, %get3A_151] {strides = array<i32>} : memref<16x128xi32, #tpu.memory_space<vmem>>, vector<16xi32>,
      tpu.vector_store_idx %arg11[%get3A_152], %broadcast_in_dim3A_30 {add = true} : memref<10240xf32, #tpu.memory_space<vmem>>[vector<16xi32>], vector<16xf32>,
      %add3A_153 = arith.constant 1 : i32
      %add3A_154 = arith.addi %add3A_115, %add3A_153 : i32
      %dma_wait3A_155 = arith.constant 0 : i32
      %dma_wait3A_156 = tpu.memref_slice %arg8[%add3A_154, %dma_wait3A_155] : memref<16x128xi32, #tpu.memory_space<vmem>> -> memref<1x128xi32, #tpu.memory_space<vmem>>
      %dma_wait3A_157 = tpu.memref_squeeze %dma_wait3A_156 : memref<1x128xi32, #tpu.memory_space<vmem>> -> memref<128xi32, #tpu.memory_space<vmem>>
      %dma_wait3A_158 = arith.constant 0 : i32
      %dma_wait3A_159 = arith.constant 0 : i32
      %dma_wait3A_160 = tpu.memref_slice %arg2[%dma_wait3A_158, %dma_wait3A_159] : memref<10000x128xf32, #tpu.memory_space<hbm>> -> memref<10000x128xf32, #tpu.memory_space<hbm>>
      tpu.wait_indirect_dma semaphore(%arg14 : memref<!tpu.dma_semaphore, #tpu.memory_space<semaphore_mem>>) src(%dma_wait3A_160 : memref<10000x128xf32, #tpu.memory_space<hbm>>) dst(%arg10 : memref<128x128xf32, #tpu.memory_space<vmem>>)
      %add3A_161 = arith.constant 2 : i32
      %add3A_162 = arith.addi %add3A_115, %add3A_161 : i32
      %dma_start3A_163 = arith.constant 0 : i32
      %dma_start3A_164 = tpu.memref_slice %arg8[%add3A_162, %dma_start3A_163] : memref<16x128xi32, #tpu.memory_space<vmem>> -> memref<1x128xi32, #tpu.memory_space<vmem>>
      %dma_start3A_165 = tpu.memref_squeeze %dma_start3A_164 : memref<1x128xi32, #tpu.memory_space<vmem>> -> memref<128xi32, #tpu.memory_space<vmem>>
      %dma_start3A_166 = arith.constant 0 : i32
      %dma_start3A_167 = arith.constant 0 : i32
      %dma_start3A_168 = tpu.memref_slice %arg2[%dma_start3A_166, %dma_start3A_167] : memref<10000x128xf32, #tpu.memory_space<hbm>> -> memref<10000x128xf32, #tpu.memory_space<hbm>>
      tpu.enqueue_indirect_dma source(%dma_start3A_168 : memref<10000x128xf32, #tpu.memory_space<hbm>>) target(%arg9 : memref<128x128xf32, #tpu.memory_space<vmem>>) offsets(%dma_start3A_165 : memref<128xi32, #tpu.memory_space<vmem>>) semaphore(%arg13 : memref<!tpu.dma_semaphore, #tpu.memory_space<semaphore_mem>>)
      %add3A_169 = arith.constant 1 : i32
      %add3A_170 = arith.addi %add3A_115, %add3A_169 : i32
      "tpu.region"() ({
        %run_scoped3A_441 = tpu.sem_alloc : memref<!tpu.dma_semaphore, #tpu.memory_space<semaphore_mem>>
        %dma_start3A_442 = arith.constant 0 : i32
        %dma_start3A_443 = tpu.memref_slice %arg7[%add3A_170, %dma_start3A_442] : memref<16x128xi32, #tpu.memory_space<vmem>> -> memref<1x128xi32, #tpu.memory_space<vmem>>
        %dma_start3A_444 = tpu.memref_squeeze %dma_start3A_443 : memref<1x128xi32, #tpu.memory_space<vmem>> -> memref<128xi32, #tpu.memory_space<vmem>>
        %dma_start3A_445 = arith.constant 0 : i32
        %dma_start3A_446 = arith.constant 0 : i32
        %dma_start3A_447 = tpu.memref_slice %arg12[%dma_start3A_445, %dma_start3A_446] : memref<10240x128xf32, #tpu.memory_space<vmem_shared>> -> memref<10240x128xf32, #tpu.memory_space<vmem_shared>>
        tpu.enqueue_indirect_dma source(%arg10 : memref<128x128xf32, #tpu.memory_space<vmem>>) target(%dma_start3A_447 : memref<10240x128xf32, #tpu.memory_space<vmem_shared>>) offsets(%dma_start3A_444 : memref<128xi32, #tpu.memory_space<vmem>>) semaphore(%run_scoped3A_441 : memref<!tpu.dma_semaphore, #tpu.memory_space<semaphore_mem>>) {add = true}
        %dma_wait3A_448 = arith.constant 0 : i32
        %dma_wait3A_449 = tpu.memref_slice %arg7[%add3A_170, %dma_wait3A_448] : memref<16x128xi32, #tpu.memory_space<vmem>> -> memref<1x128xi32, #tpu.memory_space<vmem>>
        %dma_wait3A_450 = tpu.memref_squeeze %dma_wait3A_449 : memref<1x128xi32, #tpu.memory_space<vmem>> -> memref<128xi32, #tpu.memory_space<vmem>>
        %dma_wait3A_451 = arith.constant 0 : i32
        %dma_wait3A_452 = arith.constant 0 : i32
        %dma_wait3A_453 = tpu.memref_slice %arg12[%dma_wait3A_451, %dma_wait3A_452] : memref<10240x128xf32, #tpu.memory_space<vmem_shared>> -> memref<10240x128xf32, #tpu.memory_space<vmem_shared>>
        tpu.wait_indirect_dma semaphore(%run_scoped3A_441 : memref<!tpu.dma_semaphore, #tpu.memory_space<semaphore_mem>>) src(%arg10 : memref<128x128xf32, #tpu.memory_space<vmem>>) dst(%dma_wait3A_453 : memref<10240x128xf32, #tpu.memory_space<vmem_shared>>)
        tpu.yield
      }) : () -> ()
      %add3A_171 = arith.constant 1 : i32
      %add3A_172 = arith.addi %add3A_115, %add3A_171 : i32
      %get3A_173 = arith.index_cast %add3A_172 : i32 to index
      %get3A_174 = arith.constant 0 : index
      %get3A_175 = tpu.vector_load %arg7[%get3A_173, %get3A_174] {strides = array<i32>} : memref<16x128xi32, #tpu.memory_space<vmem>>, vector<16xi32>,
      tpu.vector_store_idx %arg11[%get3A_175], %broadcast_in_dim3A_30 {add = true} : memref<10240xf32, #tpu.memory_space<vmem>>[vector<16xi32>], vector<16xf32>,
      %get3A_176 = arith.index_cast %add3A_172 : i32 to index
      %get3A_177 = arith.constant 16 : index
      %get3A_178 = tpu.vector_load %arg7[%get3A_176, %get3A_177] {strides = array<i32>} : memref<16x128xi32, #tpu.memory_space<vmem>>, vector<16xi32>,
      tpu.vector_store_idx %arg11[%get3A_178], %broadcast_in_dim3A_30 {add = true} : memref<10240xf32, #tpu.memory_space<vmem>>[vector<16xi32>], vector<16xf32>,
      %get3A_179 = arith.index_cast %add3A_172 : i32 to index
      %get3A_180 = arith.constant 32 : index
      %get3A_181 = tpu.vector_load %arg7[%get3A_179, %get3A_180] {strides = array<i32>} : memref<16x128xi32, #tpu.memory_space<vmem>>, vector<16xi32>,
      tpu.vector_store_idx %arg11[%get3A_181], %broadcast_in_dim3A_30 {add = true} : memref<10240xf32, #tpu.memory_space<vmem>>[vector<16xi32>], vector<16xf32>,
      %get3A_182 = arith.index_cast %add3A_172 : i32 to index
      %get3A_183 = arith.constant 48 : index
      %get3A_184 = tpu.vector_load %arg7[%get3A_182, %get3A_183] {strides = array<i32>} : memref<16x128xi32, #tpu.memory_space<vmem>>, vector<16xi32>,
      tpu.vector_store_idx %arg11[%get3A_184], %broadcast_in_dim3A_30 {add = true} : memref<10240xf32, #tpu.memory_space<vmem>>[vector<16xi32>], vector<16xf32>,
      %get3A_185 = arith.index_cast %add3A_172 : i32 to index
      %get3A_186 = arith.constant 64 : index
      %get3A_187 = tpu.vector_load %arg7[%get3A_185, %get3A_186] {strides = array<i32>} : memref<16x128xi32, #tpu.memory_space<vmem>>, vector<16xi32>,
      tpu.vector_store_idx %arg11[%get3A_187], %broadcast_in_dim3A_30 {add = true} : memref<10240xf32, #tpu.memory_space<vmem>>[vector<16xi32>], vector<16xf32>,
      %get3A_188 = arith.index_cast %add3A_172 : i32 to index
      %get3A_189 = arith.constant 80 : index
      %get3A_190 = tpu.vector_load %arg7[%get3A_188, %get3A_189] {strides = array<i32>} : memref<16x128xi32, #tpu.memory_space<vmem>>, vector<16xi32>,
      tpu.vector_store_idx %arg11[%get3A_190], %broadcast_in_dim3A_30 {add = true} : memref<10240xf32, #tpu.memory_space<vmem>>[vector<16xi32>], vector<16xf32>,
      %get3A_191 = arith.index_cast %add3A_172 : i32 to index
      %get3A_192 = arith.constant 96 : index
      %get3A_193 = tpu.vector_load %arg7[%get3A_191, %get3A_192] {strides = array<i32>} : memref<16x128xi32, #tpu.memory_space<vmem>>, vector<16xi32>,
      tpu.vector_store_idx %arg11[%get3A_193], %broadcast_in_dim3A_30 {add = true} : memref<10240xf32, #tpu.memory_space<vmem>>[vector<16xi32>], vector<16xf32>,
      %get3A_194 = arith.index_cast %add3A_172 : i32 to index
      %get3A_195 = arith.constant 112 : index
      %get3A_196 = tpu.vector_load %arg7[%get3A_194, %get3A_195] {strides = array<i32>} : memref<16x128xi32, #tpu.memory_space<vmem>>, vector<16xi32>,
      tpu.vector_store_idx %arg11[%get3A_196], %broadcast_in_dim3A_30 {add = true} : memref<10240xf32, #tpu.memory_space<vmem>>[vector<16xi32>], vector<16xf32>,
      %add3A_197 = arith.constant 2 : i32
      %add3A_198 = arith.addi %mul3A_76, %add3A_197 : i32
      %dma_wait3A_199 = arith.constant 0 : i32
      %dma_wait3A_200 = tpu.memref_slice %arg8[%add3A_198, %dma_wait3A_199] : memref<16x128xi32, #tpu.memory_space<vmem>> -> memref<1x128xi32, #tpu.memory_space<vmem>>
      %dma_wait3A_201 = tpu.memref_squeeze %dma_wait3A_200 : memref<1x128xi32, #tpu.memory_space<vmem>> -> memref<128xi32, #tpu.memory_space<vmem>>
      %dma_wait3A_202 = arith.constant 0 : i32
      %dma_wait3A_203 = arith.constant 0 : i32
      %dma_wait3A_204 = tpu.memref_slice %arg2[%dma_wait3A_202, %dma_wait3A_203] : memref<10000x128xf32, #tpu.memory_space<hbm>> -> memref<10000x128xf32, #tpu.memory_space<hbm>>
      tpu.wait_indirect_dma semaphore(%arg13 : memref<!tpu.dma_semaphore, #tpu.memory_space<semaphore_mem>>) src(%dma_wait3A_204 : memref<10000x128xf32, #tpu.memory_space<hbm>>) dst(%arg9 : memref<128x128xf32, #tpu.memory_space<vmem>>)
      %add3A_205 = arith.constant 1 : i32
      %add3A_206 = arith.addi %add3A_198, %add3A_205 : i32
      %dma_start3A_207 = arith.constant 0 : i32
      %dma_start3A_208 = tpu.memref_slice %arg8[%add3A_206, %dma_start3A_207] : memref<16x128xi32, #tpu.memory_space<vmem>> -> memref<1x128xi32, #tpu.memory_space<vmem>>
      %dma_start3A_209 = tpu.memref_squeeze %dma_start3A_208 : memref<1x128xi32, #tpu.memory_space<vmem>> -> memref<128xi32, #tpu.memory_space<vmem>>
      %dma_start3A_210 = arith.constant 0 : i32
      %dma_start3A_211 = arith.constant 0 : i32
      %dma_start3A_212 = tpu.memref_slice %arg2[%dma_start3A_210, %dma_start3A_211] : memref<10000x128xf32, #tpu.memory_space<hbm>> -> memref<10000x128xf32, #tpu.memory_space<hbm>>
      tpu.enqueue_indirect_dma source(%dma_start3A_212 : memref<10000x128xf32, #tpu.memory_space<hbm>>) target(%arg10 : memref<128x128xf32, #tpu.memory_space<vmem>>) offsets(%dma_start3A_209 : memref<128xi32, #tpu.memory_space<vmem>>) semaphore(%arg14 : memref<!tpu.dma_semaphore, #tpu.memory_space<semaphore_mem>>)
      "tpu.region"() ({
        %run_scoped3A_441 = tpu.sem_alloc : memref<!tpu.dma_semaphore, #tpu.memory_space<semaphore_mem>>
        %dma_start3A_442 = arith.constant 0 : i32
        %dma_start3A_443 = tpu.memref_slice %arg7[%add3A_198, %dma_start3A_442] : memref<16x128xi32, #tpu.memory_space<vmem>> -> memref<1x128xi32, #tpu.memory_space<vmem>>
        %dma_start3A_444 = tpu.memref_squeeze %dma_start3A_443 : memref<1x128xi32, #tpu.memory_space<vmem>> -> memref<128xi32, #tpu.memory_space<vmem>>
        %dma_start3A_445 = arith.constant 0 : i32
        %dma_start3A_446 = arith.constant 0 : i32
        %dma_start3A_447 = tpu.memref_slice %arg12[%dma_start3A_445, %dma_start3A_446] : memref<10240x128xf32, #tpu.memory_space<vmem_shared>> -> memref<10240x128xf32, #tpu.memory_space<vmem_shared>>
        tpu.enqueue_indirect_dma source(%arg9 : memref<128x128xf32, #tpu.memory_space<vmem>>) target(%dma_start3A_447 : memref<10240x128xf32, #tpu.memory_space<vmem_shared>>) offsets(%dma_start3A_444 : memref<128xi32, #tpu.memory_space<vmem>>) semaphore(%run_scoped3A_441 : memref<!tpu.dma_semaphore, #tpu.memory_space<semaphore_mem>>) {add = true}
        %dma_wait3A_448 = arith.constant 0 : i32
        %dma_wait3A_449 = tpu.memref_slice %arg7[%add3A_198, %dma_wait3A_448] : memref<16x128xi32, #tpu.memory_space<vmem>> -> memref<1x128xi32, #tpu.memory_space<vmem>>
        %dma_wait3A_450 = tpu.memref_squeeze %dma_wait3A_449 : memref<1x128xi32, #tpu.memory_space<vmem>> -> memref<128xi32, #tpu.memory_space<vmem>>
        %dma_wait3A_451 = arith.constant 0 : i32
        %dma_wait3A_452 = arith.constant 0 : i32
        %dma_wait3A_453 = tpu.memref_slice %arg12[%dma_wait3A_451, %dma_wait3A_452] : memref<10240x128xf32, #tpu.memory_space<vmem_shared>> -> memref<10240x128xf32, #tpu.memory_space<vmem_shared>>
        tpu.wait_indirect_dma semaphore(%run_scoped3A_441 : memref<!tpu.dma_semaphore, #tpu.memory_space<semaphore_mem>>) src(%arg9 : memref<128x128xf32, #tpu.memory_space<vmem>>) dst(%dma_wait3A_453 : memref<10240x128xf32, #tpu.memory_space<vmem_shared>>)
        tpu.yield
      }) : () -> ()
      %get3A_213 = arith.index_cast %add3A_198 : i32 to index
      %get3A_214 = arith.constant 0 : index
      %get3A_215 = tpu.vector_load %arg7[%get3A_213, %get3A_214] {strides = array<i32>} : memref<16x128xi32, #tpu.memory_space<vmem>>, vector<16xi32>,
      tpu.vector_store_idx %arg11[%get3A_215], %broadcast_in_dim3A_30 {add = true} : memref<10240xf32, #tpu.memory_space<vmem>>[vector<16xi32>], vector<16xf32>,
      %get3A_216 = arith.index_cast %add3A_198 : i32 to index
      %get3A_217 = arith.constant 16 : index
      %get3A_218 = tpu.vector_load %arg7[%get3A_216, %get3A_217] {strides = array<i32>} : memref<16x128xi32, #tpu.memory_space<vmem>>, vector<16xi32>,
      tpu.vector_store_idx %arg11[%get3A_218], %broadcast_in_dim3A_30 {add = true} : memref<10240xf32, #tpu.memory_space<vmem>>[vector<16xi32>], vector<16xf32>,
      %get3A_219 = arith.index_cast %add3A_198 : i32 to index
      %get3A_220 = arith.constant 32 : index
      %get3A_221 = tpu.vector_load %arg7[%get3A_219, %get3A_220] {strides = array<i32>} : memref<16x128xi32, #tpu.memory_space<vmem>>, vector<16xi32>,
      tpu.vector_store_idx %arg11[%get3A_221], %broadcast_in_dim3A_30 {add = true} : memref<10240xf32, #tpu.memory_space<vmem>>[vector<16xi32>], vector<16xf32>,
      %get3A_222 = arith.index_cast %add3A_198 : i32 to index
      %get3A_223 = arith.constant 48 : index
      %get3A_224 = tpu.vector_load %arg7[%get3A_222, %get3A_223] {strides = array<i32>} : memref<16x128xi32, #tpu.memory_space<vmem>>, vector<16xi32>,
      tpu.vector_store_idx %arg11[%get3A_224], %broadcast_in_dim3A_30 {add = true} : memref<10240xf32, #tpu.memory_space<vmem>>[vector<16xi32>], vector<16xf32>,
      %get3A_225 = arith.index_cast %add3A_198 : i32 to index
      %get3A_226 = arith.constant 64 : index
      %get3A_227 = tpu.vector_load %arg7[%get3A_225, %get3A_226] {strides = array<i32>} : memref<16x128xi32, #tpu.memory_space<vmem>>, vector<16xi32>,
      tpu.vector_store_idx %arg11[%get3A_227], %broadcast_in_dim3A_30 {add = true} : memref<10240xf32, #tpu.memory_space<vmem>>[vector<16xi32>], vector<16xf32>,
      %get3A_228 = arith.index_cast %add3A_198 : i32 to index
      %get3A_229 = arith.constant 80 : index
      %get3A_230 = tpu.vector_load %arg7[%get3A_228, %get3A_229] {strides = array<i32>} : memref<16x128xi32, #tpu.memory_space<vmem>>, vector<16xi32>,
      tpu.vector_store_idx %arg11[%get3A_230], %broadcast_in_dim3A_30 {add = true} : memref<10240xf32, #tpu.memory_space<vmem>>[vector<16xi32>], vector<16xf32>,
      %get3A_231 = arith.index_cast %add3A_198 : i32 to index
      %get3A_232 = arith.constant 96 : index
      %get3A_233 = tpu.vector_load %arg7[%get3A_231, %get3A_232] {strides = array<i32>} : memref<16x128xi32, #tpu.memory_space<vmem>>, vector<16xi32>,
      tpu.vector_store_idx %arg11[%get3A_233], %broadcast_in_dim3A_30 {add = true} : memref<10240xf32, #tpu.memory_space<vmem>>[vector<16xi32>], vector<16xf32>,
      %get3A_234 = arith.index_cast %add3A_198 : i32 to index
      %get3A_235 = arith.constant 112 : index
      %get3A_236 = tpu.vector_load %arg7[%get3A_234, %get3A_235] {strides = array<i32>} : memref<16x128xi32, #tpu.memory_space<vmem>>, vector<16xi32>,
      tpu.vector_store_idx %arg11[%get3A_236], %broadcast_in_dim3A_30 {add = true} : memref<10240xf32, #tpu.memory_space<vmem>>[vector<16xi32>], vector<16xf32>,
      %add3A_237 = arith.constant 1 : i32
      %add3A_238 = arith.addi %add3A_198, %add3A_237 : i32
      %dma_wait3A_239 = arith.constant 0 : i32
      %dma_wait3A_240 = tpu.memref_slice %arg8[%add3A_238, %dma_wait3A_239] : memref<16x128xi32, #tpu.memory_space<vmem>> -> memref<1x128xi32, #tpu.memory_space<vmem>>
      %dma_wait3A_241 = tpu.memref_squeeze %dma_wait3A_240 : memref<1x128xi32, #tpu.memory_space<vmem>> -> memref<128xi32, #tpu.memory_space<vmem>>
      %dma_wait3A_242 = arith.constant 0 : i32
      %dma_wait3A_243 = arith.constant 0 : i32
      %dma_wait3A_244 = tpu.memref_slice %arg2[%dma_wait3A_242, %dma_wait3A_243] : memref<10000x128xf32, #tpu.memory_space<hbm>> -> memref<10000x128xf32, #tpu.memory_space<hbm>>
      tpu.wait_indirect_dma semaphore(%arg14 : memref<!tpu.dma_semaphore, #tpu.memory_space<semaphore_mem>>) src(%dma_wait3A_244 : memref<10000x128xf32, #tpu.memory_space<hbm>>) dst(%arg10 : memref<128x128xf32, #tpu.memory_space<vmem>>)
      %add3A_245 = arith.constant 2 : i32
      %add3A_246 = arith.addi %add3A_198, %add3A_245 : i32
      %dma_start3A_247 = arith.constant 0 : i32
      %dma_start3A_248 = tpu.memref_slice %arg8[%add3A_246, %dma_start3A_247] : memref<16x128xi32, #tpu.memory_space<vmem>> -> memref<1x128xi32, #tpu.memory_space<vmem>>
      %dma_start3A_249 = tpu.memref_squeeze %dma_start3A_248 : memref<1x128xi32, #tpu.memory_space<vmem>> -> memref<128xi32, #tpu.memory_space<vmem>>
      %dma_start3A_250 = arith.constant 0 : i32
      %dma_start3A_251 = arith.constant 0 : i32
      %dma_start3A_252 = tpu.memref_slice %arg2[%dma_start3A_250, %dma_start3A_251] : memref<10000x128xf32, #tpu.memory_space<hbm>> -> memref<10000x128xf32, #tpu.memory_space<hbm>>
      tpu.enqueue_indirect_dma source(%dma_start3A_252 : memref<10000x128xf32, #tpu.memory_space<hbm>>) target(%arg9 : memref<128x128xf32, #tpu.memory_space<vmem>>) offsets(%dma_start3A_249 : memref<128xi32, #tpu.memory_space<vmem>>) semaphore(%arg13 : memref<!tpu.dma_semaphore, #tpu.memory_space<semaphore_mem>>)
      %add3A_253 = arith.constant 1 : i32
      %add3A_254 = arith.addi %add3A_198, %add3A_253 : i32
      "tpu.region"() ({
        %run_scoped3A_441 = tpu.sem_alloc : memref<!tpu.dma_semaphore, #tpu.memory_space<semaphore_mem>>
        %dma_start3A_442 = arith.constant 0 : i32
        %dma_start3A_443 = tpu.memref_slice %arg7[%add3A_254, %dma_start3A_442] : memref<16x128xi32, #tpu.memory_space<vmem>> -> memref<1x128xi32, #tpu.memory_space<vmem>>
        %dma_start3A_444 = tpu.memref_squeeze %dma_start3A_443 : memref<1x128xi32, #tpu.memory_space<vmem>> -> memref<128xi32, #tpu.memory_space<vmem>>
        %dma_start3A_445 = arith.constant 0 : i32
        %dma_start3A_446 = arith.constant 0 : i32
        %dma_start3A_447 = tpu.memref_slice %arg12[%dma_start3A_445, %dma_start3A_446] : memref<10240x128xf32, #tpu.memory_space<vmem_shared>> -> memref<10240x128xf32, #tpu.memory_space<vmem_shared>>
        tpu.enqueue_indirect_dma source(%arg10 : memref<128x128xf32, #tpu.memory_space<vmem>>) target(%dma_start3A_447 : memref<10240x128xf32, #tpu.memory_space<vmem_shared>>) offsets(%dma_start3A_444 : memref<128xi32, #tpu.memory_space<vmem>>) semaphore(%run_scoped3A_441 : memref<!tpu.dma_semaphore, #tpu.memory_space<semaphore_mem>>) {add = true}
        %dma_wait3A_448 = arith.constant 0 : i32
        %dma_wait3A_449 = tpu.memref_slice %arg7[%add3A_254, %dma_wait3A_448] : memref<16x128xi32, #tpu.memory_space<vmem>> -> memref<1x128xi32, #tpu.memory_space<vmem>>
        %dma_wait3A_450 = tpu.memref_squeeze %dma_wait3A_449 : memref<1x128xi32, #tpu.memory_space<vmem>> -> memref<128xi32, #tpu.memory_space<vmem>>
        %dma_wait3A_451 = arith.constant 0 : i32
        %dma_wait3A_452 = arith.constant 0 : i32
        %dma_wait3A_453 = tpu.memref_slice %arg12[%dma_wait3A_451, %dma_wait3A_452] : memref<10240x128xf32, #tpu.memory_space<vmem_shared>> -> memref<10240x128xf32, #tpu.memory_space<vmem_shared>>
        tpu.wait_indirect_dma semaphore(%run_scoped3A_441 : memref<!tpu.dma_semaphore, #tpu.memory_space<semaphore_mem>>) src(%arg10 : memref<128x128xf32, #tpu.memory_space<vmem>>) dst(%dma_wait3A_453 : memref<10240x128xf32, #tpu.memory_space<vmem_shared>>)
        tpu.yield
      }) : () -> ()
      %add3A_255 = arith.constant 1 : i32
      %add3A_256 = arith.addi %add3A_198, %add3A_255 : i32
      %get3A_257 = arith.index_cast %add3A_256 : i32 to index
      %get3A_258 = arith.constant 0 : index
      %get3A_259 = tpu.vector_load %arg7[%get3A_257, %get3A_258] {strides = array<i32>} : memref<16x128xi32, #tpu.memory_space<vmem>>, vector<16xi32>,
      tpu.vector_store_idx %arg11[%get3A_259], %broadcast_in_dim3A_30 {add = true} : memref<10240xf32, #tpu.memory_space<vmem>>[vector<16xi32>], vector<16xf32>,
      %get3A_260 = arith.index_cast %add3A_256 : i32 to index
      %get3A_261 = arith.constant 16 : index
      %get3A_262 = tpu.vector_load %arg7[%get3A_260, %get3A_261] {strides = array<i32>} : memref<16x128xi32, #tpu.memory_space<vmem>>, vector<16xi32>,
      tpu.vector_store_idx %arg11[%get3A_262], %broadcast_in_dim3A_30 {add = true} : memref<10240xf32, #tpu.memory_space<vmem>>[vector<16xi32>], vector<16xf32>,
      %get3A_263 = arith.index_cast %add3A_256 : i32 to index
      %get3A_264 = arith.constant 32 : index
      %get3A_265 = tpu.vector_load %arg7[%get3A_263, %get3A_264] {strides = array<i32>} : memref<16x128xi32, #tpu.memory_space<vmem>>, vector<16xi32>,
      tpu.vector_store_idx %arg11[%get3A_265], %broadcast_in_dim3A_30 {add = true} : memref<10240xf32, #tpu.memory_space<vmem>>[vector<16xi32>], vector<16xf32>,
      %get3A_266 = arith.index_cast %add3A_256 : i32 to index
      %get3A_267 = arith.constant 48 : index
      %get3A_268 = tpu.vector_load %arg7[%get3A_266, %get3A_267] {strides = array<i32>} : memref<16x128xi32, #tpu.memory_space<vmem>>, vector<16xi32>,
      tpu.vector_store_idx %arg11[%get3A_268], %broadcast_in_dim3A_30 {add = true} : memref<10240xf32, #tpu.memory_space<vmem>>[vector<16xi32>], vector<16xf32>,
      %get3A_269 = arith.index_cast %add3A_256 : i32 to index
      %get3A_270 = arith.constant 64 : index
      %get3A_271 = tpu.vector_load %arg7[%get3A_269, %get3A_270] {strides = array<i32>} : memref<16x128xi32, #tpu.memory_space<vmem>>, vector<16xi32>,
      tpu.vector_store_idx %arg11[%get3A_271], %broadcast_in_dim3A_30 {add = true} : memref<10240xf32, #tpu.memory_space<vmem>>[vector<16xi32>], vector<16xf32>,
      %get3A_272 = arith.index_cast %add3A_256 : i32 to index
      %get3A_273 = arith.constant 80 : index
      %get3A_274 = tpu.vector_load %arg7[%get3A_272, %get3A_273] {strides = array<i32>} : memref<16x128xi32, #tpu.memory_space<vmem>>, vector<16xi32>,
      tpu.vector_store_idx %arg11[%get3A_274], %broadcast_in_dim3A_30 {add = true} : memref<10240xf32, #tpu.memory_space<vmem>>[vector<16xi32>], vector<16xf32>,
      %get3A_275 = arith.index_cast %add3A_256 : i32 to index
      %get3A_276 = arith.constant 96 : index
      %get3A_277 = tpu.vector_load %arg7[%get3A_275, %get3A_276] {strides = array<i32>} : memref<16x128xi32, #tpu.memory_space<vmem>>, vector<16xi32>,
      tpu.vector_store_idx %arg11[%get3A_277], %broadcast_in_dim3A_30 {add = true} : memref<10240xf32, #tpu.memory_space<vmem>>[vector<16xi32>], vector<16xf32>,
      %get3A_278 = arith.index_cast %add3A_256 : i32 to index
      %get3A_279 = arith.constant 112 : index
      %get3A_280 = tpu.vector_load %arg7[%get3A_278, %get3A_279] {strides = array<i32>} : memref<16x128xi32, #tpu.memory_space<vmem>>, vector<16xi32>,
      tpu.vector_store_idx %arg11[%get3A_280], %broadcast_in_dim3A_30 {add = true} : memref<10240xf32, #tpu.memory_space<vmem>>[vector<16xi32>], vector<16xf32>,
      %add3A_281 = arith.constant 4 : i32
      %add3A_282 = arith.addi %mul3A_76, %add3A_281 : i32
      %dma_wait3A_283 = arith.constant 0 : i32
      %dma_wait3A_284 = tpu.memref_slice %arg8[%add3A_282, %dma_wait3A_283] : memref<16x128xi32, #tpu.memory_space<vmem>> -> memref<1x128xi32, #tpu.memory_space<vmem>>
      %dma_wait3A_285 = tpu.memref_squeeze %dma_wait3A_284 : memref<1x128xi32, #tpu.memory_space<vmem>> -> memref<128xi32, #tpu.memory_space<vmem>>
      %dma_wait3A_286 = arith.constant 0 : i32
      %dma_wait3A_287 = arith.constant 0 : i32
      %dma_wait3A_288 = tpu.memref_slice %arg2[%dma_wait3A_286, %dma_wait3A_287] : memref<10000x128xf32, #tpu.memory_space<hbm>> -> memref<10000x128xf32, #tpu.memory_space<hbm>>
      tpu.wait_indirect_dma semaphore(%arg13 : memref<!tpu.dma_semaphore, #tpu.memory_space<semaphore_mem>>) src(%dma_wait3A_288 : memref<10000x128xf32, #tpu.memory_space<hbm>>) dst(%arg9 : memref<128x128xf32, #tpu.memory_space<vmem>>)
      %add3A_289 = arith.constant 1 : i32
      %add3A_290 = arith.addi %add3A_282, %add3A_289 : i32
      %dma_start3A_291 = arith.constant 0 : i32
      %dma_start3A_292 = tpu.memref_slice %arg8[%add3A_290, %dma_start3A_291] : memref<16x128xi32, #tpu.memory_space<vmem>> -> memref<1x128xi32, #tpu.memory_space<vmem>>
      %dma_start3A_293 = tpu.memref_squeeze %dma_start3A_292 : memref<1x128xi32, #tpu.memory_space<vmem>> -> memref<128xi32, #tpu.memory_space<vmem>>
      %dma_start3A_294 = arith.constant 0 : i32
      %dma_start3A_295 = arith.constant 0 : i32
      %dma_start3A_296 = tpu.memref_slice %arg2[%dma_start3A_294, %dma_start3A_295] : memref<10000x128xf32, #tpu.memory_space<hbm>> -> memref<10000x128xf32, #tpu.memory_space<hbm>>
      tpu.enqueue_indirect_dma source(%dma_start3A_296 : memref<10000x128xf32, #tpu.memory_space<hbm>>) target(%arg10 : memref<128x128xf32, #tpu.memory_space<vmem>>) offsets(%dma_start3A_293 : memref<128xi32, #tpu.memory_space<vmem>>) semaphore(%arg14 : memref<!tpu.dma_semaphore, #tpu.memory_space<semaphore_mem>>)
      "tpu.region"() ({
        %run_scoped3A_441 = tpu.sem_alloc : memref<!tpu.dma_semaphore, #tpu.memory_space<semaphore_mem>>
        %dma_start3A_442 = arith.constant 0 : i32
        %dma_start3A_443 = tpu.memref_slice %arg7[%add3A_282, %dma_start3A_442] : memref<16x128xi32, #tpu.memory_space<vmem>> -> memref<1x128xi32, #tpu.memory_space<vmem>>
        %dma_start3A_444 = tpu.memref_squeeze %dma_start3A_443 : memref<1x128xi32, #tpu.memory_space<vmem>> -> memref<128xi32, #tpu.memory_space<vmem>>
        %dma_start3A_445 = arith.constant 0 : i32
        %dma_start3A_446 = arith.constant 0 : i32
        %dma_start3A_447 = tpu.memref_slice %arg12[%dma_start3A_445, %dma_start3A_446] : memref<10240x128xf32, #tpu.memory_space<vmem_shared>> -> memref<10240x128xf32, #tpu.memory_space<vmem_shared>>
        tpu.enqueue_indirect_dma source(%arg9 : memref<128x128xf32, #tpu.memory_space<vmem>>) target(%dma_start3A_447 : memref<10240x128xf32, #tpu.memory_space<vmem_shared>>) offsets(%dma_start3A_444 : memref<128xi32, #tpu.memory_space<vmem>>) semaphore(%run_scoped3A_441 : memref<!tpu.dma_semaphore, #tpu.memory_space<semaphore_mem>>) {add = true}
        %dma_wait3A_448 = arith.constant 0 : i32
        %dma_wait3A_449 = tpu.memref_slice %arg7[%add3A_282, %dma_wait3A_448] : memref<16x128xi32, #tpu.memory_space<vmem>> -> memref<1x128xi32, #tpu.memory_space<vmem>>
        %dma_wait3A_450 = tpu.memref_squeeze %dma_wait3A_449 : memref<1x128xi32, #tpu.memory_space<vmem>> -> memref<128xi32, #tpu.memory_space<vmem>>
        %dma_wait3A_451 = arith.constant 0 : i32
        %dma_wait3A_452 = arith.constant 0 : i32
        %dma_wait3A_453 = tpu.memref_slice %arg12[%dma_wait3A_451, %dma_wait3A_452] : memref<10240x128xf32, #tpu.memory_space<vmem_shared>> -> memref<10240x128xf32, #tpu.memory_space<vmem_shared>>
        tpu.wait_indirect_dma semaphore(%run_scoped3A_441 : memref<!tpu.dma_semaphore, #tpu.memory_space<semaphore_mem>>) src(%arg9 : memref<128x128xf32, #tpu.memory_space<vmem>>) dst(%dma_wait3A_453 : memref<10240x128xf32, #tpu.memory_space<vmem_shared>>)
        tpu.yield
      }) : () -> ()
      %get3A_297 = arith.index_cast %add3A_282 : i32 to index
      %get3A_298 = arith.constant 0 : index
      %get3A_299 = tpu.vector_load %arg7[%get3A_297, %get3A_298] {strides = array<i32>} : memref<16x128xi32, #tpu.memory_space<vmem>>, vector<16xi32>,
      tpu.vector_store_idx %arg11[%get3A_299], %broadcast_in_dim3A_30 {add = true} : memref<10240xf32, #tpu.memory_space<vmem>>[vector<16xi32>], vector<16xf32>,
      %get3A_300 = arith.index_cast %add3A_282 : i32 to index
      %get3A_301 = arith.constant 16 : index
      %get3A_302 = tpu.vector_load %arg7[%get3A_300, %get3A_301] {strides = array<i32>} : memref<16x128xi32, #tpu.memory_space<vmem>>, vector<16xi32>,
      tpu.vector_store_idx %arg11[%get3A_302], %broadcast_in_dim3A_30 {add = true} : memref<10240xf32, #tpu.memory_space<vmem>>[vector<16xi32>], vector<16xf32>,
      %get3A_303 = arith.index_cast %add3A_282 : i32 to index
      %get3A_304 = arith.constant 32 : index
      %get3A_305 = tpu.vector_load %arg7[%get3A_303, %get3A_304] {strides = array<i32>} : memref<16x128xi32, #tpu.memory_space<vmem>>, vector<16xi32>,
      tpu.vector_store_idx %arg11[%get3A_305], %broadcast_in_dim3A_30 {add = true} : memref<10240xf32, #tpu.memory_space<vmem>>[vector<16xi32>], vector<16xf32>,
      %get3A_306 = arith.index_cast %add3A_282 : i32 to index
      %get3A_307 = arith.constant 48 : index
      %get3A_308 = tpu.vector_load %arg7[%get3A_306, %get3A_307] {strides = array<i32>} : memref<16x128xi32, #tpu.memory_space<vmem>>, vector<16xi32>,
      tpu.vector_store_idx %arg11[%get3A_308], %broadcast_in_dim3A_30 {add = true} : memref<10240xf32, #tpu.memory_space<vmem>>[vector<16xi32>], vector<16xf32>,
      %get3A_309 = arith.index_cast %add3A_282 : i32 to index
      %get3A_310 = arith.constant 64 : index
      %get3A_311 = tpu.vector_load %arg7[%get3A_309, %get3A_310] {strides = array<i32>} : memref<16x128xi32, #tpu.memory_space<vmem>>, vector<16xi32>,
      tpu.vector_store_idx %arg11[%get3A_311], %broadcast_in_dim3A_30 {add = true} : memref<10240xf32, #tpu.memory_space<vmem>>[vector<16xi32>], vector<16xf32>,
      %get3A_312 = arith.index_cast %add3A_282 : i32 to index
      %get3A_313 = arith.constant 80 : index
      %get3A_314 = tpu.vector_load %arg7[%get3A_312, %get3A_313] {strides = array<i32>} : memref<16x128xi32, #tpu.memory_space<vmem>>, vector<16xi32>,
      tpu.vector_store_idx %arg11[%get3A_314], %broadcast_in_dim3A_30 {add = true} : memref<10240xf32, #tpu.memory_space<vmem>>[vector<16xi32>], vector<16xf32>,
      %get3A_315 = arith.index_cast %add3A_282 : i32 to index
      %get3A_316 = arith.constant 96 : index
      %get3A_317 = tpu.vector_load %arg7[%get3A_315, %get3A_316] {strides = array<i32>} : memref<16x128xi32, #tpu.memory_space<vmem>>, vector<16xi32>,
      tpu.vector_store_idx %arg11[%get3A_317], %broadcast_in_dim3A_30 {add = true} : memref<10240xf32, #tpu.memory_space<vmem>>[vector<16xi32>], vector<16xf32>,
      %get3A_318 = arith.index_cast %add3A_282 : i32 to index
      %get3A_319 = arith.constant 112 : index
      %get3A_320 = tpu.vector_load %arg7[%get3A_318, %get3A_319] {strides = array<i32>} : memref<16x128xi32, #tpu.memory_space<vmem>>, vector<16xi32>,
      tpu.vector_store_idx %arg11[%get3A_320], %broadcast_in_dim3A_30 {add = true} : memref<10240xf32, #tpu.memory_space<vmem>>[vector<16xi32>], vector<16xf32>,
      %add3A_321 = arith.constant 1 : i32
      %add3A_322 = arith.addi %add3A_282, %add3A_321 : i32
      %dma_wait3A_323 = arith.constant 0 : i32
      %dma_wait3A_324 = tpu.memref_slice %arg8[%add3A_322, %dma_wait3A_323] : memref<16x128xi32, #tpu.memory_space<vmem>> -> memref<1x128xi32, #tpu.memory_space<vmem>>
      %dma_wait3A_325 = tpu.memref_squeeze %dma_wait3A_324 : memref<1x128xi32, #tpu.memory_space<vmem>> -> memref<128xi32, #tpu.memory_space<vmem>>
      %dma_wait3A_326 = arith.constant 0 : i32
      %dma_wait3A_327 = arith.constant 0 : i32
      %dma_wait3A_328 = tpu.memref_slice %arg2[%dma_wait3A_326, %dma_wait3A_327] : memref<10000x128xf32, #tpu.memory_space<hbm>> -> memref<10000x128xf32, #tpu.memory_space<hbm>>
      tpu.wait_indirect_dma semaphore(%arg14 : memref<!tpu.dma_semaphore, #tpu.memory_space<semaphore_mem>>) src(%dma_wait3A_328 : memref<10000x128xf32, #tpu.memory_space<hbm>>) dst(%arg10 : memref<128x128xf32, #tpu.memory_space<vmem>>)
      %add3A_329 = arith.constant 2 : i32
      %add3A_330 = arith.addi %add3A_282, %add3A_329 : i32
      %dma_start3A_331 = arith.constant 0 : i32
      %dma_start3A_332 = tpu.memref_slice %arg8[%add3A_330, %dma_start3A_331] : memref<16x128xi32, #tpu.memory_space<vmem>> -> memref<1x128xi32, #tpu.memory_space<vmem>>
      %dma_start3A_333 = tpu.memref_squeeze %dma_start3A_332 : memref<1x128xi32, #tpu.memory_space<vmem>> -> memref<128xi32, #tpu.memory_space<vmem>>
      %dma_start3A_334 = arith.constant 0 : i32
      %dma_start3A_335 = arith.constant 0 : i32
      %dma_start3A_336 = tpu.memref_slice %arg2[%dma_start3A_334, %dma_start3A_335] : memref<10000x128xf32, #tpu.memory_space<hbm>> -> memref<10000x128xf32, #tpu.memory_space<hbm>>
      tpu.enqueue_indirect_dma source(%dma_start3A_336 : memref<10000x128xf32, #tpu.memory_space<hbm>>) target(%arg9 : memref<128x128xf32, #tpu.memory_space<vmem>>) offsets(%dma_start3A_333 : memref<128xi32, #tpu.memory_space<vmem>>) semaphore(%arg13 : memref<!tpu.dma_semaphore, #tpu.memory_space<semaphore_mem>>)
      %add3A_337 = arith.constant 1 : i32
      %add3A_338 = arith.addi %add3A_282, %add3A_337 : i32
      "tpu.region"() ({
        %run_scoped3A_441 = tpu.sem_alloc : memref<!tpu.dma_semaphore, #tpu.memory_space<semaphore_mem>>
        %dma_start3A_442 = arith.constant 0 : i32
        %dma_start3A_443 = tpu.memref_slice %arg7[%add3A_338, %dma_start3A_442] : memref<16x128xi32, #tpu.memory_space<vmem>> -> memref<1x128xi32, #tpu.memory_space<vmem>>
        %dma_start3A_444 = tpu.memref_squeeze %dma_start3A_443 : memref<1x128xi32, #tpu.memory_space<vmem>> -> memref<128xi32, #tpu.memory_space<vmem>>
        %dma_start3A_445 = arith.constant 0 : i32
        %dma_start3A_446 = arith.constant 0 : i32
        %dma_start3A_447 = tpu.memref_slice %arg12[%dma_start3A_445, %dma_start3A_446] : memref<10240x128xf32, #tpu.memory_space<vmem_shared>> -> memref<10240x128xf32, #tpu.memory_space<vmem_shared>>
        tpu.enqueue_indirect_dma source(%arg10 : memref<128x128xf32, #tpu.memory_space<vmem>>) target(%dma_start3A_447 : memref<10240x128xf32, #tpu.memory_space<vmem_shared>>) offsets(%dma_start3A_444 : memref<128xi32, #tpu.memory_space<vmem>>) semaphore(%run_scoped3A_441 : memref<!tpu.dma_semaphore, #tpu.memory_space<semaphore_mem>>) {add = true}
        %dma_wait3A_448 = arith.constant 0 : i32
        %dma_wait3A_449 = tpu.memref_slice %arg7[%add3A_338, %dma_wait3A_448] : memref<16x128xi32, #tpu.memory_space<vmem>> -> memref<1x128xi32, #tpu.memory_space<vmem>>
        %dma_wait3A_450 = tpu.memref_squeeze %dma_wait3A_449 : memref<1x128xi32, #tpu.memory_space<vmem>> -> memref<128xi32, #tpu.memory_space<vmem>>
        %dma_wait3A_451 = arith.constant 0 : i32
        %dma_wait3A_452 = arith.constant 0 : i32
        %dma_wait3A_453 = tpu.memref_slice %arg12[%dma_wait3A_451, %dma_wait3A_452] : memref<10240x128xf32, #tpu.memory_space<vmem_shared>> -> memref<10240x128xf32, #tpu.memory_space<vmem_shared>>
        tpu.wait_indirect_dma semaphore(%run_scoped3A_441 : memref<!tpu.dma_semaphore, #tpu.memory_space<semaphore_mem>>) src(%arg10 : memref<128x128xf32, #tpu.memory_space<vmem>>) dst(%dma_wait3A_453 : memref<10240x128xf32, #tpu.memory_space<vmem_shared>>)
        tpu.yield
      }) : () -> ()
      %add3A_339 = arith.constant 1 : i32
      %add3A_340 = arith.addi %add3A_282, %add3A_339 : i32
      %get3A_341 = arith.index_cast %add3A_340 : i32 to index
      %get3A_342 = arith.constant 0 : index
      %get3A_343 = tpu.vector_load %arg7[%get3A_341, %get3A_342] {strides = array<i32>} : memref<16x128xi32, #tpu.memory_space<vmem>>, vector<16xi32>,
      tpu.vector_store_idx %arg11[%get3A_343], %broadcast_in_dim3A_30 {add = true} : memref<10240xf32, #tpu.memory_space<vmem>>[vector<16xi32>], vector<16xf32>,
      %get3A_344 = arith.index_cast %add3A_340 : i32 to index
      %get3A_345 = arith.constant 16 : index
      %get3A_346 = tpu.vector_load %arg7[%get3A_344, %get3A_345] {strides = array<i32>} : memref<16x128xi32, #tpu.memory_space<vmem>>, vector<16xi32>,
      tpu.vector_store_idx %arg11[%get3A_346], %broadcast_in_dim3A_30 {add = true} : memref<10240xf32, #tpu.memory_space<vmem>>[vector<16xi32>], vector<16xf32>,
      %get3A_347 = arith.index_cast %add3A_340 : i32 to index
      %get3A_348 = arith.constant 32 : index
      %get3A_349 = tpu.vector_load %arg7[%get3A_347, %get3A_348] {strides = array<i32>} : memref<16x128xi32, #tpu.memory_space<vmem>>, vector<16xi32>,
      tpu.vector_store_idx %arg11[%get3A_349], %broadcast_in_dim3A_30 {add = true} : memref<10240xf32, #tpu.memory_space<vmem>>[vector<16xi32>], vector<16xf32>,
      %get3A_350 = arith.index_cast %add3A_340 : i32 to index
      %get3A_351 = arith.constant 48 : index
      %get3A_352 = tpu.vector_load %arg7[%get3A_350, %get3A_351] {strides = array<i32>} : memref<16x128xi32, #tpu.memory_space<vmem>>, vector<16xi32>,
      tpu.vector_store_idx %arg11[%get3A_352], %broadcast_in_dim3A_30 {add = true} : memref<10240xf32, #tpu.memory_space<vmem>>[vector<16xi32>], vector<16xf32>,
      %get3A_353 = arith.index_cast %add3A_340 : i32 to index
      %get3A_354 = arith.constant 64 : index
      %get3A_355 = tpu.vector_load %arg7[%get3A_353, %get3A_354] {strides = array<i32>} : memref<16x128xi32, #tpu.memory_space<vmem>>, vector<16xi32>,
      tpu.vector_store_idx %arg11[%get3A_355], %broadcast_in_dim3A_30 {add = true} : memref<10240xf32, #tpu.memory_space<vmem>>[vector<16xi32>], vector<16xf32>,
      %get3A_356 = arith.index_cast %add3A_340 : i32 to index
      %get3A_357 = arith.constant 80 : index
      %get3A_358 = tpu.vector_load %arg7[%get3A_356, %get3A_357] {strides = array<i32>} : memref<16x128xi32, #tpu.memory_space<vmem>>, vector<16xi32>,
      tpu.vector_store_idx %arg11[%get3A_358], %broadcast_in_dim3A_30 {add = true} : memref<10240xf32, #tpu.memory_space<vmem>>[vector<16xi32>], vector<16xf32>,
      %get3A_359 = arith.index_cast %add3A_340 : i32 to index
      %get3A_360 = arith.constant 96 : index
      %get3A_361 = tpu.vector_load %arg7[%get3A_359, %get3A_360] {strides = array<i32>} : memref<16x128xi32, #tpu.memory_space<vmem>>, vector<16xi32>,
      tpu.vector_store_idx %arg11[%get3A_361], %broadcast_in_dim3A_30 {add = true} : memref<10240xf32, #tpu.memory_space<vmem>>[vector<16xi32>], vector<16xf32>,
      %get3A_362 = arith.index_cast %add3A_340 : i32 to index
      %get3A_363 = arith.constant 112 : index
      %get3A_364 = tpu.vector_load %arg7[%get3A_362, %get3A_363] {strides = array<i32>} : memref<16x128xi32, #tpu.memory_space<vmem>>, vector<16xi32>,
      tpu.vector_store_idx %arg11[%get3A_364], %broadcast_in_dim3A_30 {add = true} : memref<10240xf32, #tpu.memory_space<vmem>>[vector<16xi32>], vector<16xf32>,
      %add3A_365 = arith.constant 6 : i32
      %add3A_366 = arith.addi %mul3A_76, %add3A_365 : i32
      %dma_wait3A_367 = arith.constant 0 : i32
      %dma_wait3A_368 = tpu.memref_slice %arg8[%add3A_366, %dma_wait3A_367] : memref<16x128xi32, #tpu.memory_space<vmem>> -> memref<1x128xi32, #tpu.memory_space<vmem>>
      %dma_wait3A_369 = tpu.memref_squeeze %dma_wait3A_368 : memref<1x128xi32, #tpu.memory_space<vmem>> -> memref<128xi32, #tpu.memory_space<vmem>>
      %dma_wait3A_370 = arith.constant 0 : i32
      %dma_wait3A_371 = arith.constant 0 : i32
      %dma_wait3A_372 = tpu.memref_slice %arg2[%dma_wait3A_370, %dma_wait3A_371] : memref<10000x128xf32, #tpu.memory_space<hbm>> -> memref<10000x128xf32, #tpu.memory_space<hbm>>
      tpu.wait_indirect_dma semaphore(%arg13 : memref<!tpu.dma_semaphore, #tpu.memory_space<semaphore_mem>>) src(%dma_wait3A_372 : memref<10000x128xf32, #tpu.memory_space<hbm>>) dst(%arg9 : memref<128x128xf32, #tpu.memory_space<vmem>>)
      %add3A_373 = arith.constant 1 : i32
      %add3A_374 = arith.addi %add3A_366, %add3A_373 : i32
      %dma_start3A_375 = arith.constant 0 : i32
      %dma_start3A_376 = tpu.memref_slice %arg8[%add3A_374, %dma_start3A_375] : memref<16x128xi32, #tpu.memory_space<vmem>> -> memref<1x128xi32, #tpu.memory_space<vmem>>
      %dma_start3A_377 = tpu.memref_squeeze %dma_start3A_376 : memref<1x128xi32, #tpu.memory_space<vmem>> -> memref<128xi32, #tpu.memory_space<vmem>>
      %dma_start3A_378 = arith.constant 0 : i32
      %dma_start3A_379 = arith.constant 0 : i32
      %dma_start3A_380 = tpu.memref_slice %arg2[%dma_start3A_378, %dma_start3A_379] : memref<10000x128xf32, #tpu.memory_space<hbm>> -> memref<10000x128xf32, #tpu.memory_space<hbm>>
      tpu.enqueue_indirect_dma source(%dma_start3A_380 : memref<10000x128xf32, #tpu.memory_space<hbm>>) target(%arg10 : memref<128x128xf32, #tpu.memory_space<vmem>>) offsets(%dma_start3A_377 : memref<128xi32, #tpu.memory_space<vmem>>) semaphore(%arg14 : memref<!tpu.dma_semaphore, #tpu.memory_space<semaphore_mem>>)
      "tpu.region"() ({
        %run_scoped3A_441 = tpu.sem_alloc : memref<!tpu.dma_semaphore, #tpu.memory_space<semaphore_mem>>
        %dma_start3A_442 = arith.constant 0 : i32
        %dma_start3A_443 = tpu.memref_slice %arg7[%add3A_366, %dma_start3A_442] : memref<16x128xi32, #tpu.memory_space<vmem>> -> memref<1x128xi32, #tpu.memory_space<vmem>>
        %dma_start3A_444 = tpu.memref_squeeze %dma_start3A_443 : memref<1x128xi32, #tpu.memory_space<vmem>> -> memref<128xi32, #tpu.memory_space<vmem>>
        %dma_start3A_445 = arith.constant 0 : i32
        %dma_start3A_446 = arith.constant 0 : i32
        %dma_start3A_447 = tpu.memref_slice %arg12[%dma_start3A_445, %dma_start3A_446] : memref<10240x128xf32, #tpu.memory_space<vmem_shared>> -> memref<10240x128xf32, #tpu.memory_space<vmem_shared>>
        tpu.enqueue_indirect_dma source(%arg9 : memref<128x128xf32, #tpu.memory_space<vmem>>) target(%dma_start3A_447 : memref<10240x128xf32, #tpu.memory_space<vmem_shared>>) offsets(%dma_start3A_444 : memref<128xi32, #tpu.memory_space<vmem>>) semaphore(%run_scoped3A_441 : memref<!tpu.dma_semaphore, #tpu.memory_space<semaphore_mem>>) {add = true}
        %dma_wait3A_448 = arith.constant 0 : i32
        %dma_wait3A_449 = tpu.memref_slice %arg7[%add3A_366, %dma_wait3A_448] : memref<16x128xi32, #tpu.memory_space<vmem>> -> memref<1x128xi32, #tpu.memory_space<vmem>>
        %dma_wait3A_450 = tpu.memref_squeeze %dma_wait3A_449 : memref<1x128xi32, #tpu.memory_space<vmem>> -> memref<128xi32, #tpu.memory_space<vmem>>
        %dma_wait3A_451 = arith.constant 0 : i32
        %dma_wait3A_452 = arith.constant 0 : i32
        %dma_wait3A_453 = tpu.memref_slice %arg12[%dma_wait3A_451, %dma_wait3A_452] : memref<10240x128xf32, #tpu.memory_space<vmem_shared>> -> memref<10240x128xf32, #tpu.memory_space<vmem_shared>>
        tpu.wait_indirect_dma semaphore(%run_scoped3A_441 : memref<!tpu.dma_semaphore, #tpu.memory_space<semaphore_mem>>) src(%arg9 : memref<128x128xf32, #tpu.memory_space<vmem>>) dst(%dma_wait3A_453 : memref<10240x128xf32, #tpu.memory_space<vmem_shared>>)
        tpu.yield
      }) : () -> ()
      %get3A_381 = arith.index_cast %add3A_366 : i32 to index
      %get3A_382 = arith.constant 0 : index
      %get3A_383 = tpu.vector_load %arg7[%get3A_381, %get3A_382] {strides = array<i32>} : memref<16x128xi32, #tpu.memory_space<vmem>>, vector<16xi32>,
      tpu.vector_store_idx %arg11[%get3A_383], %broadcast_in_dim3A_30 {add = true} : memref<10240xf32, #tpu.memory_space<vmem>>[vector<16xi32>], vector<16xf32>,
      %get3A_384 = arith.index_cast %add3A_366 : i32 to index
      %get3A_385 = arith.constant 16 : index
      %get3A_386 = tpu.vector_load %arg7[%get3A_384, %get3A_385] {strides = array<i32>} : memref<16x128xi32, #tpu.memory_space<vmem>>, vector<16xi32>,
      tpu.vector_store_idx %arg11[%get3A_386], %broadcast_in_dim3A_30 {add = true} : memref<10240xf32, #tpu.memory_space<vmem>>[vector<16xi32>], vector<16xf32>,
      %get3A_387 = arith.index_cast %add3A_366 : i32 to index
      %get3A_388 = arith.constant 32 : index
      %get3A_389 = tpu.vector_load %arg7[%get3A_387, %get3A_388] {strides = array<i32>} : memref<16x128xi32, #tpu.memory_space<vmem>>, vector<16xi32>,
      tpu.vector_store_idx %arg11[%get3A_389], %broadcast_in_dim3A_30 {add = true} : memref<10240xf32, #tpu.memory_space<vmem>>[vector<16xi32>], vector<16xf32>,
      %get3A_390 = arith.index_cast %add3A_366 : i32 to index
      %get3A_391 = arith.constant 48 : index
      %get3A_392 = tpu.vector_load %arg7[%get3A_390, %get3A_391] {strides = array<i32>} : memref<16x128xi32, #tpu.memory_space<vmem>>, vector<16xi32>,
      tpu.vector_store_idx %arg11[%get3A_392], %broadcast_in_dim3A_30 {add = true} : memref<10240xf32, #tpu.memory_space<vmem>>[vector<16xi32>], vector<16xf32>,
      %get3A_393 = arith.index_cast %add3A_366 : i32 to index
      %get3A_394 = arith.constant 64 : index
      %get3A_395 = tpu.vector_load %arg7[%get3A_393, %get3A_394] {strides = array<i32>} : memref<16x128xi32, #tpu.memory_space<vmem>>, vector<16xi32>,
      tpu.vector_store_idx %arg11[%get3A_395], %broadcast_in_dim3A_30 {add = true} : memref<10240xf32, #tpu.memory_space<vmem>>[vector<16xi32>], vector<16xf32>,
      %get3A_396 = arith.index_cast %add3A_366 : i32 to index
      %get3A_397 = arith.constant 80 : index
      %get3A_398 = tpu.vector_load %arg7[%get3A_396, %get3A_397] {strides = array<i32>} : memref<16x128xi32, #tpu.memory_space<vmem>>, vector<16xi32>,
      tpu.vector_store_idx %arg11[%get3A_398], %broadcast_in_dim3A_30 {add = true} : memref<10240xf32, #tpu.memory_space<vmem>>[vector<16xi32>], vector<16xf32>,
      %get3A_399 = arith.index_cast %add3A_366 : i32 to index
      %get3A_400 = arith.constant 96 : index
      %get3A_401 = tpu.vector_load %arg7[%get3A_399, %get3A_400] {strides = array<i32>} : memref<16x128xi32, #tpu.memory_space<vmem>>, vector<16xi32>,
      tpu.vector_store_idx %arg11[%get3A_401], %broadcast_in_dim3A_30 {add = true} : memref<10240xf32, #tpu.memory_space<vmem>>[vector<16xi32>], vector<16xf32>,
      %get3A_402 = arith.index_cast %add3A_366 : i32 to index
      %get3A_403 = arith.constant 112 : index
      %get3A_404 = tpu.vector_load %arg7[%get3A_402, %get3A_403] {strides = array<i32>} : memref<16x128xi32, #tpu.memory_space<vmem>>, vector<16xi32>,
      tpu.vector_store_idx %arg11[%get3A_404], %broadcast_in_dim3A_30 {add = true} : memref<10240xf32, #tpu.memory_space<vmem>>[vector<16xi32>], vector<16xf32>,
      %add3A_405 = arith.constant 1 : i32
      %add3A_406 = arith.addi %add3A_366, %add3A_405 : i32
      %dma_wait3A_407 = arith.constant 0 : i32
      %dma_wait3A_408 = tpu.memref_slice %arg8[%add3A_406, %dma_wait3A_407] : memref<16x128xi32, #tpu.memory_space<vmem>> -> memref<1x128xi32, #tpu.memory_space<vmem>>
      %dma_wait3A_409 = tpu.memref_squeeze %dma_wait3A_408 : memref<1x128xi32, #tpu.memory_space<vmem>> -> memref<128xi32, #tpu.memory_space<vmem>>
      %dma_wait3A_410 = arith.constant 0 : i32
      %dma_wait3A_411 = arith.constant 0 : i32
      %dma_wait3A_412 = tpu.memref_slice %arg2[%dma_wait3A_410, %dma_wait3A_411] : memref<10000x128xf32, #tpu.memory_space<hbm>> -> memref<10000x128xf32, #tpu.memory_space<hbm>>
      tpu.wait_indirect_dma semaphore(%arg14 : memref<!tpu.dma_semaphore, #tpu.memory_space<semaphore_mem>>) src(%dma_wait3A_412 : memref<10000x128xf32, #tpu.memory_space<hbm>>) dst(%arg10 : memref<128x128xf32, #tpu.memory_space<vmem>>)
      %add3A_413 = arith.constant 1 : i32
      %add3A_414 = arith.addi %add3A_366, %add3A_413 : i32
      "tpu.region"() ({
        %run_scoped3A_441 = tpu.sem_alloc : memref<!tpu.dma_semaphore, #tpu.memory_space<semaphore_mem>>
        %dma_start3A_442 = arith.constant 0 : i32
        %dma_start3A_443 = tpu.memref_slice %arg7[%add3A_414, %dma_start3A_442] : memref<16x128xi32, #tpu.memory_space<vmem>> -> memref<1x128xi32, #tpu.memory_space<vmem>>
        %dma_start3A_444 = tpu.memref_squeeze %dma_start3A_443 : memref<1x128xi32, #tpu.memory_space<vmem>> -> memref<128xi32, #tpu.memory_space<vmem>>
        %dma_start3A_445 = arith.constant 0 : i32
        %dma_start3A_446 = arith.constant 0 : i32
        %dma_start3A_447 = tpu.memref_slice %arg12[%dma_start3A_445, %dma_start3A_446] : memref<10240x128xf32, #tpu.memory_space<vmem_shared>> -> memref<10240x128xf32, #tpu.memory_space<vmem_shared>>
        tpu.enqueue_indirect_dma source(%arg10 : memref<128x128xf32, #tpu.memory_space<vmem>>) target(%dma_start3A_447 : memref<10240x128xf32, #tpu.memory_space<vmem_shared>>) offsets(%dma_start3A_444 : memref<128xi32, #tpu.memory_space<vmem>>) semaphore(%run_scoped3A_441 : memref<!tpu.dma_semaphore, #tpu.memory_space<semaphore_mem>>) {add = true}
        %dma_wait3A_448 = arith.constant 0 : i32
        %dma_wait3A_449 = tpu.memref_slice %arg7[%add3A_414, %dma_wait3A_448] : memref<16x128xi32, #tpu.memory_space<vmem>> -> memref<1x128xi32, #tpu.memory_space<vmem>>
        %dma_wait3A_450 = tpu.memref_squeeze %dma_wait3A_449 : memref<1x128xi32, #tpu.memory_space<vmem>> -> memref<128xi32, #tpu.memory_space<vmem>>
        %dma_wait3A_451 = arith.constant 0 : i32
        %dma_wait3A_452 = arith.constant 0 : i32
        %dma_wait3A_453 = tpu.memref_slice %arg12[%dma_wait3A_451, %dma_wait3A_452] : memref<10240x128xf32, #tpu.memory_space<vmem_shared>> -> memref<10240x128xf32, #tpu.memory_space<vmem_shared>>
        tpu.wait_indirect_dma semaphore(%run_scoped3A_441 : memref<!tpu.dma_semaphore, #tpu.memory_space<semaphore_mem>>) src(%arg10 : memref<128x128xf32, #tpu.memory_space<vmem>>) dst(%dma_wait3A_453 : memref<10240x128xf32, #tpu.memory_space<vmem_shared>>)
        tpu.yield
      }) : () -> ()
      %add3A_415 = arith.constant 1 : i32
      %add3A_416 = arith.addi %add3A_366, %add3A_415 : i32
      %get3A_417 = arith.index_cast %add3A_416 : i32 to index
      %get3A_418 = arith.constant 0 : index
      %get3A_419 = tpu.vector_load %arg7[%get3A_417, %get3A_418] {strides = array<i32>} : memref<16x128xi32, #tpu.memory_space<vmem>>, vector<16xi32>,
      tpu.vector_store_idx %arg11[%get3A_419], %broadcast_in_dim3A_30 {add = true} : memref<10240xf32, #tpu.memory_space<vmem>>[vector<16xi32>], vector<16xf32>,
      %get3A_420 = arith.index_cast %add3A_416 : i32 to index
      %get3A_421 = arith.constant 16 : index
      %get3A_422 = tpu.vector_load %arg7[%get3A_420, %get3A_421] {strides = array<i32>} : memref<16x128xi32, #tpu.memory_space<vmem>>, vector<16xi32>,
      tpu.vector_store_idx %arg11[%get3A_422], %broadcast_in_dim3A_30 {add = true} : memref<10240xf32, #tpu.memory_space<vmem>>[vector<16xi32>], vector<16xf32>,
      %get3A_423 = arith.index_cast %add3A_416 : i32 to index
      %get3A_424 = arith.constant 32 : index
      %get3A_425 = tpu.vector_load %arg7[%get3A_423, %get3A_424] {strides = array<i32>} : memref<16x128xi32, #tpu.memory_space<vmem>>, vector<16xi32>,
      tpu.vector_store_idx %arg11[%get3A_425], %broadcast_in_dim3A_30 {add = true} : memref<10240xf32, #tpu.memory_space<vmem>>[vector<16xi32>], vector<16xf32>,
      %get3A_426 = arith.index_cast %add3A_416 : i32 to index
      %get3A_427 = arith.constant 48 : index
      %get3A_428 = tpu.vector_load %arg7[%get3A_426, %get3A_427] {strides = array<i32>} : memref<16x128xi32, #tpu.memory_space<vmem>>, vector<16xi32>,
      tpu.vector_store_idx %arg11[%get3A_428], %broadcast_in_dim3A_30 {add = true} : memref<10240xf32, #tpu.memory_space<vmem>>[vector<16xi32>], vector<16xf32>,
      %get3A_429 = arith.index_cast %add3A_416 : i32 to index
      %get3A_430 = arith.constant 64 : index
      %get3A_431 = tpu.vector_load %arg7[%get3A_429, %get3A_430] {strides = array<i32>} : memref<16x128xi32, #tpu.memory_space<vmem>>, vector<16xi32>,
      tpu.vector_store_idx %arg11[%get3A_431], %broadcast_in_dim3A_30 {add = true} : memref<10240xf32, #tpu.memory_space<vmem>>[vector<16xi32>], vector<16xf32>,
      %get3A_432 = arith.index_cast %add3A_416 : i32 to index
      %get3A_433 = arith.constant 80 : index
      %get3A_434 = tpu.vector_load %arg7[%get3A_432, %get3A_433] {strides = array<i32>} : memref<16x128xi32, #tpu.memory_space<vmem>>, vector<16xi32>,
      tpu.vector_store_idx %arg11[%get3A_434], %broadcast_in_dim3A_30 {add = true} : memref<10240xf32, #tpu.memory_space<vmem>>[vector<16xi32>], vector<16xf32>,
      %get3A_435 = arith.index_cast %add3A_416 : i32 to index
      %get3A_436 = arith.constant 96 : index
      %get3A_437 = tpu.vector_load %arg7[%get3A_435, %get3A_436] {strides = array<i32>} : memref<16x128xi32, #tpu.memory_space<vmem>>, vector<16xi32>,
      tpu.vector_store_idx %arg11[%get3A_437], %broadcast_in_dim3A_30 {add = true} : memref<10240xf32, #tpu.memory_space<vmem>>[vector<16xi32>], vector<16xf32>,
      %get3A_438 = arith.index_cast %add3A_416 : i32 to index
      %get3A_439 = arith.constant 112 : index
      %get3A_440 = tpu.vector_load %arg7[%get3A_438, %get3A_439] {strides = array<i32>} : memref<16x128xi32, #tpu.memory_space<vmem>>, vector<16xi32>,
      tpu.vector_store_idx %arg11[%get3A_440], %broadcast_in_dim3A_30 {add = true} : memref<10240xf32, #tpu.memory_space<vmem>>[vector<16xi32>], vector<16xf32>,
    }
    %scan3A_67 = arith.constant 10 : i32
    %barrier3A_68 = arith.constant 0 : index
    tpu.barrier barrier_id(%barrier3A_68)
    %run_scoped3A = arith.constant 0 : i32
    "tpu.region"() ({
      %run_scoped3A_73 = tpu.sem_alloc : memref<!tpu.dma_semaphore, #tpu.memory_space<semaphore_mem>>
      %dma_start3A_74 = arith.constant 0 : i32
      %dma_start3A_75 = tpu.memref_slice %arg6[%add3A, %run_scoped3A, %dma_start3A_74] : memref<32x1x10240xf32, #tpu.memory_space<hbm>> -> memref<1x1x10240xf32, #tpu.memory_space<hbm>>
      %dma_start3A_76 = tpu.memref_squeeze %dma_start3A_75 : memref<1x1x10240xf32, #tpu.memory_space<hbm>> -> memref<10240xf32, #tpu.memory_space<hbm>>
      %dma_start3A_77 = arith.constant 0 : i32
      %dma_start3A_78 = tpu.memref_slice %arg6[%add3A, %run_scoped3A, %dma_start3A_77] : memref<32x1x10240xf32, #tpu.memory_space<hbm>> -> memref<1x1x10240xf32, #tpu.memory_space<hbm>>
      %dma_start3A_79 = tpu.memref_squeeze %dma_start3A_78 : memref<1x1x10240xf32, #tpu.memory_space<hbm>> -> memref<10240xf32, #tpu.memory_space<hbm>>
      tpu.enqueue_dma source(%arg11 : memref<10240xf32, #tpu.memory_space<vmem>>) target(%dma_start3A_79 : memref<10240xf32, #tpu.memory_space<hbm>>) target_semaphore(%run_scoped3A_73 : memref<!tpu.dma_semaphore, #tpu.memory_space<semaphore_mem>>)
      %dma_wait3A = arith.constant 0 : i32
      %dma_wait3A_80 = tpu.memref_slice %arg6[%add3A, %run_scoped3A, %dma_wait3A] : memref<32x1x10240xf32, #tpu.memory_space<hbm>> -> memref<1x1x10240xf32, #tpu.memory_space<hbm>>
      %dma_wait3A_81 = tpu.memref_squeeze %dma_wait3A_80 : memref<1x1x10240xf32, #tpu.memory_space<hbm>> -> memref<10240xf32, #tpu.memory_space<hbm>>
      %dma_wait3A_82 = arith.constant 0 : i32
      %dma_wait3A_83 = tpu.memref_slice %arg6[%add3A, %run_scoped3A, %dma_wait3A_82] : memref<32x1x10240xf32, #tpu.memory_space<hbm>> -> memref<1x1x10240xf32, #tpu.memory_space<hbm>>
      %dma_wait3A_84 = tpu.memref_squeeze %dma_wait3A_83 : memref<1x1x10240xf32, #tpu.memory_space<hbm>> -> memref<10240xf32, #tpu.memory_space<hbm>>
      tpu.wait_dma2 semaphore(%run_scoped3A_73 : memref<!tpu.dma_semaphore, #tpu.memory_space<semaphore_mem>>) src(%arg11 : memref<10240xf32, #tpu.memory_space<vmem>>) dst(%dma_wait3A_84 : memref<10240xf32, #tpu.memory_space<hbm>>)
      tpu.yield
    }) : () -> ()
    %mul3A_69 = arith.constant 640 : i32
    %mul3A_70 = arith.muli %arg1, %mul3A_69 : i32
    %mul3A_71 = arith.constant 640 : i32
    %mul3A_72 = arith.muli %arg1, %mul3A_71 : i32
    "tpu.region"() ({
      %run_scoped3A_73 = tpu.sem_alloc : memref<!tpu.dma_semaphore, #tpu.memory_space<semaphore_mem>>
      %dma_start3A_74 = arith.constant 0 : i32
      %dma_start3A_75 = tpu.memref_slice %arg5[%arg0, %mul3A_72, %dma_start3A_74] : memref<2x10240x128xf32, #tpu.memory_space<hbm>> -> memref<1x640x128xf32, #tpu.memory_space<hbm>>
      %dma_start3A_76 = tpu.memref_squeeze %dma_start3A_75 : memref<1x640x128xf32, #tpu.memory_space<hbm>> -> memref<640x128xf32, #tpu.memory_space<hbm>>
      %dma_start3A_77 = arith.constant 0 : i32
      %dma_start3A_78 = tpu.memref_slice %arg12[%mul3A_70, %dma_start3A_77] : memref<10240x128xf32, #tpu.memory_space<vmem_shared>> -> memref<640x128xf32, #tpu.memory_space<vmem_shared>>
      tpu.enqueue_dma source(%dma_start3A_78 : memref<640x128xf32, #tpu.memory_space<vmem_shared>>) target(%dma_start3A_76 : memref<640x128xf32, #tpu.memory_space<hbm>>) target_semaphore(%run_scoped3A_73 : memref<!tpu.dma_semaphore, #tpu.memory_space<semaphore_mem>>)
      %dma_wait3A = arith.constant 0 : i32
      %dma_wait3A_79 = tpu.memref_slice %arg5[%arg0, %mul3A_72, %dma_wait3A] : memref<2x10240x128xf32, #tpu.memory_space<hbm>> -> memref<1x640x128xf32, #tpu.memory_space<hbm>>
      %dma_wait3A_80 = tpu.memref_squeeze %dma_wait3A_79 : memref<1x640x128xf32, #tpu.memory_space<hbm>> -> memref<640x128xf32, #tpu.memory_space<hbm>>
      %dma_wait3A_81 = arith.constant 0 : i32
      %dma_wait3A_82 = tpu.memref_slice %arg12[%mul3A_70, %dma_wait3A_81] : memref<10240x128xf32, #tpu.memory_space<vmem_shared>> -> memref<640x128xf32, #tpu.memory_space<vmem_shared>>
      tpu.wait_dma2 semaphore(%run_scoped3A_73 : memref<!tpu.dma_semaphore, #tpu.memory_space<semaphore_mem>>) src(%dma_wait3A_82 : memref<640x128xf32, #tpu.memory_space<vmem_shared>>) dst(%dma_wait3A_80 : memref<640x128xf32, #tpu.memory_space<hbm>>)
      tpu.yield
    }) : () -> ()
    return
  }
}

module attributes {stable_mosaic.version = 14 : i64} {
  func.func @tc_body(%arg0: i32, %arg1: memref<2048x128xf32, #tpu.memory_space<vmem>>, %arg2: memref<128x128xf32, #tpu.memory_space<vmem>>, %arg3: memref<2x2048x128xf32, #tpu.memory_space<vmem>>, %arg4: memref<32x1x2048xf32, #tpu.memory_space<vmem>>, %arg5: memref<2048x256xf32, #tpu.memory_space<vmem>>) attributes {dimension_semantics = [#tpu.dimension_semantics<arbitrary>], iteration_bounds = array<i64: 5>, scalar_prefetch = 0 : i64, scratch_operands = 0 : i64, tpu.core_type = #tpu.core_type<tc>, window_params = [{transform_indices = @transform_0, window_bounds = array<i64: 2048, 128>}, {pipeline_mode = #tpu.pipeline_mode<synchronous>, transform_indices = @transform_1, window_bounds = array<i64: 128, 128>}, {transform_indices = @transform_2, window_bounds = array<i64: 2, 2048, 128>}, {transform_indices = @transform_3, window_bounds = array<i64: 32, 1, 2048>}, {transform_indices = @transform_4, window_bounds = array<i64: 2048, 256>}]} {
    %get3A = arith.constant 0 : index
    %get3A_0 = arith.constant 0 : index
    %get3A_1 = vector.load %arg2[%get3A, %get3A_0] : memref<128x128xf32, #tpu.memory_space<vmem>>, vector<128x128xf32>
    %get3A_2 = arith.constant 0 : index
    %get3A_3 = arith.constant 0 : index
    %get3A_4 = vector.load %arg1[%get3A_2, %get3A_3] : memref<2048x128xf32, #tpu.memory_space<vmem>>, vector<2048x128xf32>
    %dot_general3A = arith.constant dense<0.000000e+00> : vector<2048x128xf32>
    %dot_general3A_5 = tpu.matmul %get3A_4, %get3A_1, %dot_general3A {dimension_numbers = #tpu.dot_dimension_numbers<[1], [0], [0], [1], [0, 0, 1, 1], [], []>, transpose_lhs_hint = false} : vector<2048x128xf32>, vector<128x128xf32>, vector<2048x128xf32> -> vector<2048x128xf32>
    %get3A_6 = arith.constant 0 : index
    %get3A_7 = arith.constant 0 : index
    %get3A_8 = arith.constant 0 : index
    %get3A_9 = vector.load %arg3[%get3A_6, %get3A_7, %get3A_8] : memref<2x2048x128xf32, #tpu.memory_space<vmem>>, vector<1x2048x128xf32>
    %get3A_10 = vector.shape_cast %get3A_9 : vector<1x2048x128xf32> to vector<2048x128xf32>
    %get3A_11 = arith.constant 1 : index
    %get3A_12 = arith.constant 0 : index
    %get3A_13 = arith.constant 0 : index
    %get3A_14 = vector.load %arg3[%get3A_11, %get3A_12, %get3A_13] : memref<2x2048x128xf32, #tpu.memory_space<vmem>>, vector<1x2048x128xf32>
    %get3A_15 = vector.shape_cast %get3A_14 : vector<1x2048x128xf32> to vector<2048x128xf32>
    %add3A = arith.addf %get3A_10, %get3A_15 : vector<2048x128xf32>
    %get3A_16 = arith.constant 0 : index
    %get3A_17 = arith.constant 0 : index
    %get3A_18 = arith.constant 0 : index
    %get3A_19 = vector.load %arg4[%get3A_16, %get3A_17, %get3A_18] : memref<32x1x2048xf32, #tpu.memory_space<vmem>>, vector<32x1x2048xf32>
    %get3A_20 = vector.shape_cast %get3A_19 : vector<32x1x2048xf32> to vector<32x2048xf32>
    %reduce_sum3A = arith.constant dense<0.000000e+00> : vector<2048xf32>
    %reduce_sum3A_21 = vector.multi_reduction <add>, %get3A_20, %reduce_sum3A [0] : vector<32x2048xf32> to vector<2048xf32>
    %max3A = arith.constant 1.000000e+00 : f32
    %max3A_22 = vector.broadcast %max3A : f32 to vector<2048xf32>
    %max3A_23 = arith.maximumf %reduce_sum3A_21, %max3A_22 : vector<2048xf32>
    %broadcast_in_dim3A = vector.shape_cast %max3A_23 : vector<2048xf32> to vector<2048x1xf32>
    %div3A = vector.broadcast %broadcast_in_dim3A : vector<2048x1xf32> to vector<2048x128xf32>
    %div3A_24 = arith.divf %add3A, %div3A : vector<2048x128xf32>
    %dot_general3A_25 = arith.constant dense<0.000000e+00> : vector<2048x128xf32>
    %dot_general3A_26 = tpu.matmul %div3A_24, %get3A_1, %dot_general3A_25 {dimension_numbers = #tpu.dot_dimension_numbers<[1], [0], [0], [1], [0, 0, 1, 1], [], []>, transpose_lhs_hint = false} : vector<2048x128xf32>, vector<128x128xf32>, vector<2048x128xf32> -> vector<2048x128xf32>
    %concatenate3A = tpu.concatenate %dot_general3A_5, %dot_general3A_26 in 1 : vector<2048x128xf32>, vector<2048x128xf32> -> vector<2048x256xf32>
    %swap3A = arith.constant 0 : index
    %swap3A_27 = arith.constant 0 : index
    %swap3A_28 = vector.load %arg5[%swap3A, %swap3A_27] : memref<2048x256xf32, #tpu.memory_space<vmem>>, vector<2048x256xf32>
    tpu.vector_store %arg5[%swap3A, %swap3A_27], %concatenate3A {strides = array<i32>} : memref<2048x256xf32, #tpu.memory_space<vmem>>, vector<2048x256xf32>,
    return
  }
  func.func @transform_0(%arg0: i32) -> (i32, i32) {
    %c0_i32 = arith.constant 0 : i32
    %c0_i32_0 = arith.constant 0 : i32
    return %arg0, %c0_i32 : i32, i32
  }
  func.func @transform_1(%arg0: i32) -> (i32, i32) {
    %c0_i32 = arith.constant 0 : i32
    %c0_i32_0 = arith.constant 0 : i32
    %c0_i32_1 = arith.constant 0 : i32
    return %c0_i32, %c0_i32_0 : i32, i32
  }
  func.func @transform_2(%arg0: i32) -> (i32, i32, i32) {
    %c0_i32 = arith.constant 0 : i32
    %c0_i32_0 = arith.constant 0 : i32
    %c0_i32_1 = arith.constant 0 : i32
    return %c0_i32, %arg0, %c0_i32_0 : i32, i32, i32
  }
  func.func @transform_3(%arg0: i32) -> (i32, i32, i32) {
    %c0_i32 = arith.constant 0 : i32
    %c0_i32_0 = arith.constant 0 : i32
    %c0_i32_1 = arith.constant 0 : i32
    return %c0_i32, %c0_i32_0, %arg0 : i32, i32, i32
  }
  func.func @transform_4(%arg0: i32) -> (i32, i32) {
    %c0_i32 = arith.constant 0 : i32
    %c0_i32_0 = arith.constant 0 : i32
    return %arg0, %c0_i32 : i32, i32
  }
}

</mosaic_0001>

<sc_bundles>
// kernel: kernel.4.cloned.1.call-start
scs
__scs_entry_jumppad:
0x0: {  	(pc) =	sbr.rel $0x88, $3  }
0x1: {  	(tag) =	ssettag $0x0;
	lr =	simm.s32 $0x1  }
0x2: {  	[smem:$0x3F9D] =	sst lr;
	_ =	strace $0xD0000000  }
0x3: {  	_ = 	snop  }
0x4: {  	_ = 	snop  }
0x5: {  	_ = 	snop  }
0x6: {  	_ = 	snop  }
0x7: {  	_ = 	snop  }
__scs_overlays_trampoline_lowered:
0x8: {  	[smem:$0x3FAC] =	sst s0  }
0x9: {  	[smem:$0x3FAD] =	sst s1  }
0xa: {  	[smem:$0x3FAE] =	sst s2  }
0xb: {  	[smem:$0x3FAF] =	sst s3  }
0xc: {  	[smem:$0x3FB0] =	sst s4  }
0xd: {  	[smem:$0x3FB1] =	sst s5  }
0xe: {  	[smem:$0x3FB2] =	sst s6  }
0xf: {  	[smem:$0x3FB3] =	sst s7  }
0x10: {  	[smem:$0x3FB4] =	sst s8  }
0x11: {  	[smem:$0x3FB5] =	sst s9;
	s0 =	simm.s32 @!p0 $0x0  }
0x12: {  	s1 =	sld [smem:$0x3F9B];
	s0 =	simm.s32 @p0 $0x1  }
0x13: {  	[smem:$0x3FB6] =	sst s0;
	s0 =	simm.s32 @!p1 $0x0  }
0x14: {  	s2 =	sld [smem:$0x3F9A];
	s0 =	simm.s32 @p1 $0x1  }
0x15: {  	[smem:$0x3FB7] =	sst s0;
	s0 =	simm.s32 @!p2 $0x0  }
0x16: {  	s3 =	sld [smem:$0x3FDB];
	s0 =	simm.s32 @p2 $0x1  }
0x17: {  	s4 =	simm.s32 $0x1BF5;
	[smem:$0x3FB9] =	sst s0  }
0x18: {  	s0 =	sld [smem:$0x3F9C];
	_ =	swait.ge [sflag:s4], $0x0  }
0x19: {  	s7 =	sld [smem:$0x3F9D]  }
0x1a: {  	s8 =	sadd.s32 $0xFFFFE003, lr  }
0x1b: {  	s9 =	sadd.s32 $0xFFFFFEF7, lr;
	s5 =	simm.s32 $0xFFFFFFFF;
	p2 =	slt.u32 s8, $0xFFFFF086  }
0x1c: {  	p1 =	slt.u32 s9, $0xF7A;
	s5 =	simm.s32 @!p2 $0x0  }
0x1d: {  	s5 =	simm.s32 @p1 $0x1;
	p0 =	seq.s32 s7, s2  }
0x1e: {  	s7 =	smul.u32 @!p0 $0xF7A, s2;
	p2 =	seq.s32 @!p0 s5, $0x0  }
0x1f: {  	s9 =	smul.u32 $0xF7A, s1;
	s8 =	simm.s32 @!p0 $0x1BF5;
	p2 =	por !p2, p0  }
0x20: {  	[sflag:s8] =	ssyncset.s32 @!p0 $0xFFFFF086;
	s6 =	sadd.s32 @!p0 s3, s7;
	s7 =	simm.s32 @!p0 $0x108  }
0x21: {  	s3 =	sadd.s32 s3, s9;
	s6 =	sadd.s32 @!p0 $0x88, s6;
	s7 =	simm.s32 @p2 $0x1082  }
0x22: {  	[simem:s7], [sflag:s8] =	dma.local @!p0 [hbm:s6], $0xF7A  }
0x23: {  	s9 =	sor.u32 $0xD0000000, s2;
	s6 =	simm.s32 $0x108;
	_ =	swait.ge @!p0 [sflag:s8], $0x0  }
0x24: {  	s3 =	sadd.s32 $0x88, s3;
	s6 =	simm.s32 @!p1 $0x1082;
	[sflag:s4] =	ssyncset.s32 $0xFFFFF086  }
0x25: {  	[simem:s6], [sflag:s4] =	dma.local [hbm:s3], $0xF7A  }
0x26: {  	[smem:$0x3F9D] =	sst s1;
	(tag) =	ssettag s2;
	_ =	strace s9  }
0x27: {  	s1 =	sld [smem:$0x3FAD]  }
0x28: {  	s2 =	sld [smem:$0x3FAE]  }
0x29: {  	s4 =	sld [smem:$0x3FB0]  }
0x2a: {  	p0 =	seq.s32 s5, $0x0;
	s5 =	sld [smem:$0x3FB1]  }
0x2b: {  	s6 =	sld [smem:$0x3FB2]  }
0x2c: {  	s7 =	sld [smem:$0x3FB3]  }
0x2d: {  	s3 =	simm.s32 $0x108;
	s8 =	sld [smem:$0x3FB4]  }
0x2e: {  	s3 =	simm.s32 @!p0 $0x1082;
	s9 =	sld [smem:$0x3FB5]  }
0x2f: {  	lr =	sadd.s32 s0, s3;
	s0 =	sld [smem:$0x3FAC]  }
0x30: {  	s3 =	sld [smem:$0x3FAF]  }
0x31: {  	[smem:$0x3FB8] =	sst s10  }
0x32: {  	s10 =	sld [smem:$0x3FB6];
	_ =	sdelay $0x3  }
0x33: {  	p0 =	seq.s32 s10, $0x1;
	s10 =	sld [smem:$0x3FB8];
	_ =	sdelay $0x3  }
0x34: {  	[smem:$0x3FB8] =	sst s10  }
0x35: {  	s10 =	sld [smem:$0x3FB7];
	_ =	sdelay $0x3  }
0x36: {  	p1 =	seq.s32 s10, $0x1;
	s10 =	sld [smem:$0x3FB8];
	_ =	sdelay $0x3  }
0x37: {  	[smem:$0x3FB8] =	sst s10  }
0x38: {  	s10 =	sld [smem:$0x3FB9]  }
0x39: {  	_ = 	snop;
	(pc) =	sbr.ind lr, $3  }
0x3a: {  	_ = 	snop  }
0x3b: {  	_ = 	snop  }
0x3c: {  	p2 =	seq.s32 s10, $0x1;
	s10 =	sld [smem:$0x3FB8]  }
0x3d: {  	_ =	shalt  }
0x3e: {  	_ =	shalt  }
0x3f: {  	_ =	shalt  }
0x40: {  	_ =	shalt  }
0x41: {  	_ =	shalt  }
0x42: {  	_ =	shalt  }
0x43: {  	_ =	shalt  }
0x44: {  	_ =	shalt  }
0x45: {  	_ =	shalt  }
0x46: {  	_ =	shalt  }
0x47: {  	_ =	shalt  }
0x48: {  	_ =	shalt  }
0x49: {  	_ =	shalt  }
0x4a: {  	_ =	shalt  }
0x4b: {  	_ =	shalt  }
0x4c: {  	_ =	shalt  }
0x4d: {  	_ =	shalt  }
0x4e: {  	_ =	shalt  }
0x4f: {  	_ =	shalt  }
0x50: {  	_ =	shalt  }
0x51: {  	_ =	shalt  }
0x52: {  	_ =	shalt  }
0x53: {  	_ =	shalt  }
0x54: {  	_ =	shalt  }
0x55: {  	_ =	shalt  }
0x56: {  	_ =	shalt  }
0x57: {  	_ =	shalt  }
0x58: {  	_ =	shalt  }
0x59: {  	_ =	shalt  }
0x5a: {  	_ =	shalt  }
0x5b: {  	_ =	shalt  }
0x5c: {  	_ =	shalt  }
0x5d: {  	_ =	shalt  }
0x5e: {  	_ =	shalt  }
0x5f: {  	_ =	shalt  }
0x60: {  	_ =	shalt  }
0x61: {  	_ =	shalt  }
0x62: {  	_ =	shalt  }
0x63: {  	_ =	shalt  }
0x64: {  	_ =	shalt  }
0x65: {  	_ =	shalt  }
0x66: {  	_ =	shalt  }
0x67: {  	_ =	shalt  }
0x68: {  	_ =	shalt  }
0x69: {  	_ =	shalt  }
0x6a: {  	_ =	shalt  }
0x6b: {  	_ =	shalt  }
0x6c: {  	_ =	shalt  }
0x6d: {  	_ =	shalt  }
0x6e: {  	_ =	shalt  }
0x6f: {  	_ =	shalt  }
0x70: {  	_ =	shalt  }
0x71: {  	_ =	shalt  }
0x72: {  	_ =	shalt  }
0x73: {  	_ =	shalt  }
0x74: {  	_ =	shalt  }
0x75: {  	_ =	shalt  }
0x76: {  	_ =	shalt  }
0x77: {  	_ =	shalt  }
0x78: {  	_ =	shalt  }
0x79: {  	_ =	shalt  }
0x7a: {  	_ =	shalt  }
0x7b: {  	_ =	shalt  }
0x7c: {  	_ =	shalt  }
0x7d: {  	_ =	shalt  }
0x7e: {  	_ =	shalt  }
0x7f: {  	_ =	shalt  }
0x80: {  	_ =	shalt  }
0x81: {  	_ =	shalt  }
0x82: {  	_ =	shalt  }
0x83: {  	_ =	shalt  }
0x84: {  	_ =	shalt  }
0x85: {  	_ =	shalt  }
0x86: {  	_ =	shalt  }
0x87: {  	_ =	shalt  }
.Lfunc_end0:
.L_simem_size_0:
called_computation_lowered:
.L_overlay_start_0:
0x88: {  	s2 =	sld [smem:$0x3FD9]  }
0x89: {  	s3 =	sld [smem:$0x3FFE];
	_ =	sdelay $0x1  }
0x8a: {  	s1 =	srdreg.scid  }
0x8b: {  	s0 =	sand.u32 $0x1, s1  }
0x8c: {  	s17 =	sshll.u32 s0, $0xA;
	s2 =	sadd.s32 s3, s2  }
0x8d: {  	s2 =	sadd.s32 s2, s17  }
0x8e: {  	[smem:$0x3FC4] =	sst s2  }
0x8f: {  	_ = 	snop  }
0x90: {  	s2 =	sld [smem:$0x3FC9]  }
0x91: {  	s18 =	sld [smem:$0x3FD0];
	(tm) =	ssettm $0x1  }
0x92: {  	s4 =	sld [smem:$0x3FFB];
	_ =	sdelay $0x3  }
0x93: {  	_ =	strace s4  }
0x94: {  	s4 =	sld [smem:$0x3FFC];
	_ =	sdelay $0x3  }
0x95: {  	_ =	strace s4  }
0x96: {  	s4 =	sld [smem:$0x3FFD];
	_ =	sdelay $0x3  }
0x97: {  	_ =	strace s4  }
0x98: {  	_ =	strace $0x8FFFFFFF  }
0x99: {  	s19 =	sld [smem:$0x3FDB];
	_ =	sdelay $0x1  }
0x9a: {  	s5 =	simm.s32 $_scs_section_size  }
0x9b: {  	s6 =	simm.s32 $_size__tile_overlayer_lowered;
	s7 =	simm.s32 $_tile_overlayer_lowered  }
0x9c: {  	s22 =	simm.s32 $0x1BFF;
	s21 =	sshll.u32 s7, $0x1;
	s4 =	sadd.s32 s5, s19  }
0x9d: {  	s8 =	simm.s32 $0x0;
	s20 =	sshll.u32 s6, $0x1;
	s6 =	sadd.s32 s21, s4  }
0x9e: {  	[timem:s8], [sflag:s22] =	dma.local [hbm:s6], s20  }
0x9f: {  	_ =	swait.ge [sflag:s22], s20  }
0xa0: {  	s5 =	ssub.s32 $0x0, s20;
	[sflag:s22] =	ssyncset.done $0x0  }
0xa1: {  	[sflag:s22] =	ssyncadd.s32 s5;
	_ =	sdelay $0x1  }
0xa2: {  	s23 =	simm.s32 $0x1B8B  }
0xa3: {  	_ =	swait.ge [sflag:s23], $0x1  }
0xa4: {  	[sflag:s23] =	ssyncset.done $0x0  }
0xa5: {  	s25 =	simm.s32 $0x1B8E;
	s24 =	sld [smem:$0x3FFE];
	[sflag:s23] =	ssyncadd.s32 $0xFFFFFFFF  }
0xa6: {  	s26 =	simm.s32 $execute0_lowered;
	[smem:$0x3FD2] =	sst s25  }
0xa7: {  	s6 =	sshll.u32 s26, $0x1;
	_ =	strace $0x80000046;
	[dreg:$0x1] =	wrdreg $0xFFFFFFFF  }
0xa8: {  	s28 =	simm.s32 $_size_execute0_lowered;
	s4 =	sadd.s32 s4, s6;
	[dreg:$0x0] =	wrdreg $0x0  }
0xa9: {  	s6 =	sshll.u32 s28, $0x1;
	[dreg:$0x2] =	wrdreg s4  }
0xaa: {  	[dreg:$0x3] =	wrdreg s6  }
0xab: {  	[dreg:$0x4] =	wrdreg $0xC0  }
0xac: {  	_ =	task [dreg:s8], $0x5FFFF  }
0xad: {  	[dreg:$0x1] =	wrdreg $0xFFFFFFFF  }
0xae: {  	[dreg:$0x0] =	wrdreg $0x60  }
0xaf: {  	[dreg:$0x2] =	wrdreg s2  }
0xb0: {  	[dreg:$0x3] =	wrdreg s18  }
0xb1: {  	[dreg:$0x4] =	wrdreg s24  }
0xb2: {  	[dreg:$0x5] =	wrdreg $0xB8000  }
0xb3: {  	[dreg:$0x6] =	wrdreg $0x9  }
0xb4: {  	_ =	task.clear_ibuf [dreg:s8], $0x7FFFF;
	_ =	strace $0x90000046  }
0xb5: {  	s29 =	simm.s32 $0x9;
	_ =	strace $0x80000048  }
0xb6: {  	_ =	swait.ge [sflag:s29], $0x1  }
0xb7: {  	[sflag:s29] =	ssyncadd.s32 $0xFFFFFFFF  }
0xb8: {  	_ =	strace $0x90000048  }
0xb9: {  	_ =	sfence  }
0xba: {  	s30 =	sld [smem:$0x0];
	_ =	sdelay $0x2  }
0xbb: {  	s31 =	sshll.u32 s1, $0xD;
	s1 =	sshrl.u32 s1, $0x2  }
0xbc: {  	s3 =	sand.u32 $0x4000, s31;
	s1 =	sadd.s32 s1, s30  }
0xbd: {  	s0 =	sor.u32 s3, s0;
	s1 =	sshll.u32 s1, $0x11  }
0xbe: {  	s0 =	sor.u32 s1, s0  }
0xbf: {  	s0 =	sadd.s32 $0x8F2B, s0  }
0xc0: {  	[sflag:s0] =	ssyncadd.remote.s32 $0x1  }
0xc1: {  	_ =	sfence.sel $0xFFFF  }
0xc2: {  	[dreg:$0x0] =	wrdreg $0xFFFFFFFF;
	(pc) =	sbr.abs _section_cstart, $3  }
0xc3: {  	[dreg:$0x1] =	wrdreg $0xFFFFFFFF  }
0xc4: {  	_ =	task.clear_ibuf [dreg:s8], $0x2FFFF;
	_ =	strace $0x9FFFFFFF  }
0xc5: {  	(tm) =	ssettm $0x7FFFFFFF  }
tec
execute0_lowered:
.L_overlay_start_1:
0x0: {  	(tag) =	ssettag $0x1  }
0x1: {  	s1 =	rddreg [dreg:$0x0]  }
0x2: {  	s16 =	rddreg [dreg:$0x1]  }
0x3: {  	s5 =	rddreg [dreg:$0x2]  }
0x4: {  	s3 =	rddreg [dreg:$0x3]  }
0x5: {  	s2 =	srdreg.scid;
	s4 =	simm.s32 $0x0;
	s18 =	simm.s32 $0x1000  }
0x6: {  	s19 =	simm.s32 $0x4;
	s20 =	simm.s32 $0x3;
	s21 =	simm.s32 $0x80  }
0x7: {  	s22 =	simm.s32 $0x1;
	s23 =	simm.s32 $0x5000;
	s6 =	sand.u32 $0x1, s2  }
0x8: {  	s24 =	simm.s32 $0x9000;
	s2 =	stileid.u32;
	s7 =	smul.u32 $0x140000, s6  }
0x9: {  	s25 =	simm.s32 $0x2;
	s26 =	simm.s32 $0x0;
	s9 =	smul.u32 $0x14000, s2  }
0xa: {  	[smem:$0x7FF] =	sst s4;
	s15 =	sadd.s32 $0x1800, s5;
	s29 =	smul.u32 $0x50000, s2  }
0xb: {  	s8 =	sshll.u32 s6, $0x4;
	_ =	strace $0x80000047;
	s11 =	smul.u32 $0x28000, s6  }
0xc: {  	s30 =	ssub.s32 $0x2, s6;
	s17 =	smul.u32 $0x2800, s2;
	s8 =	sor.u32 s2, s8  }
0xd: {  	s31 =	sshrl.u32 s30, $0x1;
	s8 =	smul.u32 $0x2800, s8;
	s7 =	sadd.s32 s9, s7  }
0xe: {  	s9 =	sshrl.u32 s29, $0x2;
	s14 =	ssub.s32 s30, s31;
	s17 =	sadd.s32 s17, s11  }
0xf: {  	s7 =	sshrl.u32 s7, $0x3;
	s17 =	sor.u32 $0x400, s17;
	s14 =	smax.u32 s14, $0x1  }
0x10: {  	s8 =	sshrl.u32 s8, $0x3;
	s13 =	sadd.s32 s7, s5;
	s17 =	sshrl.u32 s17, $0x3  }
0x11: {  	s12 =	sadd.s32 s8, s5;
	s5 =	sadd.s32 s9, s3;
	s6 =	sadd.s32 s16, s8  }
0x12: {  	s7 =	sadd.s32 s15, s8;
	s13 =	sadd.s32 $0xB800, s13;
	s15 =	sadd.s32 s17, s15  }
0x13: {  	s16 =	sadd.s32 s17, s16;
	s8 =	sadd.s32 $0x4000, s5;
	s9 =	sadd.s32 $0x8000, s5  }
0x14: {  	v0 =	vimm.f32 $0.0e+00;
	v1 =	vimm.f32 $1.000000000e+00;
	s10 =	sadd.s32 $0xC000, s5;
	s11 =	sadd.s32 $0x10000, s5;
	s12 =	sadd.s32 $0x5B800, s12  }
.LBB2_1:
0x15: {  	[tilespmem:s4], [sflag:$0x3] =	stream.linear.gather [hbm4b:s6+s4], $0x400, $0x38;
	[tilespmem:$0x1F800] =	vst v63  }
0x16: {  	s0 =	simm.s32 $0x800;
	s28 =	simm.s32 $0x0  }
0x17: {  	[tilespmem:s0], [sflag:$0x3] =	stream.linear.gather [hbm4b:s7+s4], $0x400, $0x38;
	[tilespmem:$0x1F800] =	vst v63  }
.LBB2_2:
0x18: {  	p0 =	sne.s32 s28, $0x9FC0  }
.Ltmp0:
0x19: {  	_ = 	snop;
	(pc) =	sbr.rel @p0 .LBB2_2-.Ltmp0, $3  }
0x1a: {  	_ =	sdelay $0x1  }
0x1b: {  	s29 =	sshra.s32 s28, $0x2  }
0x1c: {  	s28 =	sadd.s32 $0x40, s28;
	[tilespmem:s29+$0x9000] =	vst v0  }
0x1d: {  	s28 =	simm.s32 $0x0;
	s29 =	simm.s32 $0x200  }
.LBB2_4:
0x1e: {  	p0 =	sne.s32 s29, $0xFE00;
	[tilespmem:s28+$0x1070] =	vst v0  }
0x1f: {  	[tilespmem:s28+$0x1000] =	vst v0  }
0x20: {  	[tilespmem:s28+$0x1010] =	vst v0  }
.Ltmp1:
0x21: {  	[tilespmem:s28+$0x1020] =	vst v0;
	(pc) =	sbr.rel @p0 .LBB2_4-.Ltmp1, $4  }
0x22: {  	[tilespmem:s28+$0x1030] =	vst v0  }
0x23: {  	[tilespmem:s28+$0x1040] =	vst v0  }
0x24: {  	[tilespmem:s28+$0x1050] =	vst v0  }
0x25: {  	[tilespmem:s28+$0x1060] =	vst v0;
	s28 =	sshra.s32 s29, $0x2;
	s29 =	sadd.s32 $0x200, s29  }
0x26: {  	[tilespmem:s28+$0x1070] =	vst v0  }
0x27: {  	[tilespmem:s28+$0x1000] =	vst v0  }
0x28: {  	[tilespmem:s28+$0x1010] =	vst v0  }
0x29: {  	[tilespmem:s28+$0x1020] =	vst v0  }
0x2a: {  	[tilespmem:s28+$0x1030] =	vst v0  }
0x2b: {  	[tilespmem:s28+$0x1040] =	vst v0  }
0x2c: {  	[tilespmem:s28+$0x1050] =	vst v0  }
0x2d: {  	[tilespmem:s28+$0x1060] =	vst v0  }
0x2e: {  	[spmem:s5] =	stream.linear.scatter [tilespmem:s18], [sflag:$0x4], $0x4000, $0x38;
	[tilespmem:$0x1F800] =	vst v63  }
0x2f: {  	_ =	swait.ge [sflag:s19], $0x4000  }
0x30: {  	[sflag:s19] =	ssyncset.done $0x0  }
0x31: {  	[sflag:s19] =	ssyncadd.s32 $0xFFFFC000  }
0x32: {  	[spmem:s8] =	stream.linear.scatter [tilespmem:s18], [sflag:$0x4], $0x4000, $0x38;
	[tilespmem:$0x1F800] =	vst v63  }
0x33: {  	_ =	swait.ge [sflag:s19], $0x4000  }
0x34: {  	[sflag:s19] =	ssyncset.done $0x0  }
0x35: {  	[sflag:s19] =	ssyncadd.s32 $0xFFFFC000  }
0x36: {  	[spmem:s9] =	stream.linear.scatter [tilespmem:s18], [sflag:$0x4], $0x4000, $0x38;
	[tilespmem:$0x1F800] =	vst v63  }
0x37: {  	_ =	swait.ge [sflag:s19], $0x4000  }
0x38: {  	[sflag:s19] =	ssyncset.done $0x0  }
0x39: {  	[sflag:s19] =	ssyncadd.s32 $0xFFFFC000  }
0x3a: {  	[spmem:s10] =	stream.linear.scatter [tilespmem:s18], [sflag:$0x4], $0x4000, $0x38;
	[tilespmem:$0x1F800] =	vst v63  }
0x3b: {  	_ =	swait.ge [sflag:s19], $0x4000  }
0x3c: {  	[sflag:s19] =	ssyncset.done $0x0  }
0x3d: {  	[sflag:s19] =	ssyncadd.s32 $0xFFFFC000  }
0x3e: {  	[spmem:s11] =	stream.linear.scatter [tilespmem:s18], [sflag:$0x4], $0x4000, $0x38;
	[tilespmem:$0x1F800] =	vst v63  }
0x3f: {  	_ =	swait.ge [sflag:s19], $0x4000  }
0x40: {  	[sflag:s19] =	ssyncset.done $0x0  }
0x41: {  	s28 =	simm.s32 $0x0;
	[sflag:s19] =	ssyncadd.s32 $0xFFFFC000  }
0x42: {  	s29 =	smov.u32 s16;
	s30 =	smov.u32 s15;
	[bflag:$0x0] =	sbarrier.arrive $0xFFFF  }
.LBB2_6:
0x43: {  	_ =	swait.ge [sflag:s20], $0x400  }
0x44: {  	[sflag:s20] =	ssyncset.done $0x0  }
0x45: {  	[sflag:s20] =	ssyncadd.s32 $0xFFFFFC00  }
0x46: {  	_ =	swait.ge [sflag:s20], $0x400  }
0x47: {  	s31 =	sand.u32 $0x400, s28;
	p0 =	seq.s32 s28, $0x2400;
	[sflag:s20] =	ssyncset.done $0x0  }
0x48: {  	s0 =	ssub.s32 @!p0 $0x400, s31;
	s17 =	simm.s32 @!p0 $0x0;
	[sflag:s20] =	ssyncadd.s32 $0xFFFFFC00  }
0x49: {  	[tilespmem:s0], [sflag:$0x3] =	stream.linear.gather @!p0 [hbm4b:s29+s17], $0x400, $0x38;
	[tilespmem:$0x1F800] =	vst v63  }
0x4a: {  	s0 =	ssub.s32 @!p0 $0xC00, s31  }
0x4b: {  	[tilespmem:s0], [sflag:$0x3] =	stream.linear.gather @!p0 [hbm4b:s30+s17], $0x400, $0x38;
	[tilespmem:$0x1F800] =	vst v63  }
0x4c: {  	s17 =	sor.u32 $0x800, s31  }
0x4d: {  	[tilespmem:s18], [sflag:$0x1] =	stream.indirect.gather [hbm4b:s1+s21], $0x80, s17, s21, $0xb8;
	[tilespmem:$0x1F800] =	vst v63  }
0x4e: {  	_ =	swait.ge [sflag:s22], $0x4000  }
0x4f: {  	[sflag:s22] =	ssyncset.done $0x0  }
0x50: {  	s17 =	sor.u32 $0x880, s31;
	[sflag:s22] =	ssyncadd.s32 $0xFFFFC000  }
0x51: {  	[tilespmem:s23], [sflag:$0x2] =	stream.indirect.gather [hbm4b:s1+s21], $0x80, s17, s21, $0xb8;
	[tilespmem:$0x1F800] =	vst v63  }
0x52: {  	_ = 	snop  }
0x53: {  	[spmem:s3] =	stream.indirect.scatter.add.f32 [tilespmem:s18], [sflag:$0x4], $0x80, s31, s21, $0xb8;
	[tilespmem:$0x1F800] =	vst v63  }
0x54: {  	_ =	swait.ge [sflag:s19], $0x4000  }
0x55: {  	[sflag:s19] =	ssyncset.done $0x0  }
0x56: {  	[sflag:s19] =	ssyncadd.s32 $0xFFFFC000  }
0x57: {  	v2 =	vld [tilespmem:s31+$0x0];
	_ =	sdelay $0x7  }
0x58: {  	[tilespmem:v2+s24+$0x0] =	vst.idx.add.f32.msk $0xffff, v1  }
0x59: {  	v2 =	vld [tilespmem:s31+$0x10];
	_ =	sdelay $0x7  }
0x5a: {  	[tilespmem:v2+s24+$0x0] =	vst.idx.add.f32.msk $0xffff, v1  }
0x5b: {  	v2 =	vld [tilespmem:s31+$0x20];
	_ =	sdelay $0x7  }
0x5c: {  	[tilespmem:v2+s24+$0x0] =	vst.idx.add.f32.msk $0xffff, v1  }
0x5d: {  	v2 =	vld [tilespmem:s31+$0x30];
	_ =	sdelay $0x7  }
0x5e: {  	[tilespmem:v2+s24+$0x0] =	vst.idx.add.f32.msk $0xffff, v1  }
0x5f: {  	v2 =	vld [tilespmem:s31+$0x40];
	_ =	sdelay $0x7  }
0x60: {  	[tilespmem:v2+s24+$0x0] =	vst.idx.add.f32.msk $0xffff, v1  }
0x61: {  	v2 =	vld [tilespmem:s31+$0x50];
	_ =	sdelay $0x7  }
0x62: {  	[tilespmem:v2+s24+$0x0] =	vst.idx.add.f32.msk $0xffff, v1  }
0x63: {  	v2 =	vld [tilespmem:s31+$0x60];
	_ =	sdelay $0x7  }
0x64: {  	[tilespmem:v2+s24+$0x0] =	vst.idx.add.f32.msk $0xffff, v1  }
0x65: {  	v2 =	vld [tilespmem:s31+$0x70];
	_ =	sdelay $0x7  }
0x66: {  	[tilespmem:v2+s24+$0x0] =	vst.idx.add.f32.msk $0xffff, v1  }
0x67: {  	_ =	swait.ge [sflag:s25], $0x4000  }
0x68: {  	[sflag:s25] =	ssyncset.done $0x0  }
0x69: {  	s17 =	sor.u32 $0x900, s31;
	[sflag:s25] =	ssyncadd.s32 $0xFFFFC000  }
0x6a: {  	[tilespmem:s18], [sflag:$0x1] =	stream.indirect.gather [hbm4b:s1+s21], $0x80, s17, s21, $0xb8;
	[tilespmem:$0x1F800] =	vst v63  }
0x6b: {  	s17 =	sor.u32 $0x80, s31  }
0x6c: {  	[spmem:s3] =	stream.indirect.scatter.add.f32 [tilespmem:s23], [sflag:$0x4], $0x80, s17, s21, $0xb8;
	[tilespmem:$0x1F800] =	vst v63  }
0x6d: {  	_ =	swait.ge [sflag:s19], $0x4000  }
0x6e: {  	[sflag:s19] =	ssyncset.done $0x0  }
0x6f: {  	[sflag:s19] =	ssyncadd.s32 $0xFFFFC000  }
0x70: {  	v2 =	vld [tilespmem:s17+$0x0];
	_ =	sdelay $0x7  }
0x71: {  	[tilespmem:v2+s24+$0x0] =	vst.idx.add.f32.msk $0xffff, v1  }
0x72: {  	v2 =	vld [tilespmem:s31+$0x90];
	_ =	sdelay $0x7  }
0x73: {  	[tilespmem:v2+s24+$0x0] =	vst.idx.add.f32.msk $0xffff, v1  }
0x74: {  	v2 =	vld [tilespmem:s31+$0xA0];
	_ =	sdelay $0x7  }
0x75: {  	[tilespmem:v2+s24+$0x0] =	vst.idx.add.f32.msk $0xffff, v1  }
0x76: {  	v2 =	vld [tilespmem:s31+$0xB0];
	_ =	sdelay $0x7  }
0x77: {  	[tilespmem:v2+s24+$0x0] =	vst.idx.add.f32.msk $0xffff, v1  }
0x78: {  	v2 =	vld [tilespmem:s31+$0xC0];
	_ =	sdelay $0x7  }
0x79: {  	[tilespmem:v2+s24+$0x0] =	vst.idx.add.f32.msk $0xffff, v1  }
0x7a: {  	v2 =	vld [tilespmem:s31+$0xD0];
	_ =	sdelay $0x7  }
0x7b: {  	[tilespmem:v2+s24+$0x0] =	vst.idx.add.f32.msk $0xffff, v1  }
0x7c: {  	v2 =	vld [tilespmem:s31+$0xE0];
	_ =	sdelay $0x7  }
0x7d: {  	[tilespmem:v2+s24+$0x0] =	vst.idx.add.f32.msk $0xffff, v1  }
0x7e: {  	v2 =	vld [tilespmem:s31+$0xF0];
	_ =	sdelay $0x7  }
0x7f: {  	[tilespmem:v2+s24+$0x0] =	vst.idx.add.f32.msk $0xffff, v1  }
0x80: {  	_ =	swait.ge [sflag:s22], $0x4000  }
0x81: {  	[sflag:s22] =	ssyncset.done $0x0  }
0x82: {  	s17 =	sor.u32 $0x980, s31;
	[sflag:s22] =	ssyncadd.s32 $0xFFFFC000  }
0x83: {  	[tilespmem:s23], [sflag:$0x2] =	stream.indirect.gather [hbm4b:s1+s21], $0x80, s17, s21, $0xb8;
	[tilespmem:$0x1F800] =	vst v63  }
0x84: {  	s17 =	sor.u32 $0x100, s31  }
0x85: {  	[spmem:s3] =	stream.indirect.scatter.add.f32 [tilespmem:s18], [sflag:$0x4], $0x80, s17, s21, $0xb8;
	[tilespmem:$0x1F800] =	vst v63  }
0x86: {  	_ =	swait.ge [sflag:s19], $0x4000  }
0x87: {  	[sflag:s19] =	ssyncset.done $0x0  }
0x88: {  	[sflag:s19] =	ssyncadd.s32 $0xFFFFC000  }
0x89: {  	v2 =	vld [tilespmem:s17+$0x0];
	_ =	sdelay $0x7  }
0x8a: {  	[tilespmem:v2+s24+$0x0] =	vst.idx.add.f32.msk $0xffff, v1  }
0x8b: {  	v2 =	vld [tilespmem:s31+$0x110];
	_ =	sdelay $0x7  }
0x8c: {  	[tilespmem:v2+s24+$0x0] =	vst.idx.add.f32.msk $0xffff, v1  }
0x8d: {  	v2 =	vld [tilespmem:s31+$0x120];
	_ =	sdelay $0x7  }
0x8e: {  	[tilespmem:v2+s24+$0x0] =	vst.idx.add.f32.msk $0xffff, v1  }
0x8f: {  	v2 =	vld [tilespmem:s31+$0x130];
	_ =	sdelay $0x7  }
0x90: {  	[tilespmem:v2+s24+$0x0] =	vst.idx.add.f32.msk $0xffff, v1  }
0x91: {  	v2 =	vld [tilespmem:s31+$0x140];
	_ =	sdelay $0x7  }
0x92: {  	[tilespmem:v2+s24+$0x0] =	vst.idx.add.f32.msk $0xffff, v1  }
0x93: {  	v2 =	vld [tilespmem:s31+$0x150];
	_ =	sdelay $0x7  }
0x94: {  	[tilespmem:v2+s24+$0x0] =	vst.idx.add.f32.msk $0xffff, v1  }
0x95: {  	v2 =	vld [tilespmem:s31+$0x160];
	_ =	sdelay $0x7  }
0x96: {  	[tilespmem:v2+s24+$0x0] =	vst.idx.add.f32.msk $0xffff, v1  }
0x97: {  	v2 =	vld [tilespmem:s31+$0x170];
	_ =	sdelay $0x7  }
0x98: {  	[tilespmem:v2+s24+$0x0] =	vst.idx.add.f32.msk $0xffff, v1  }
0x99: {  	_ =	swait.ge [sflag:s25], $0x4000  }
0x9a: {  	[sflag:s25] =	ssyncset.done $0x0  }
0x9b: {  	s17 =	sor.u32 $0xA00, s31;
	[sflag:s25] =	ssyncadd.s32 $0xFFFFC000  }
0x9c: {  	[tilespmem:s18], [sflag:$0x1] =	stream.indirect.gather [hbm4b:s1+s21], $0x80, s17, s21, $0xb8;
	[tilespmem:$0x1F800] =	vst v63  }
0x9d: {  	s17 =	sor.u32 $0x180, s31  }
0x9e: {  	[spmem:s3] =	stream.indirect.scatter.add.f32 [tilespmem:s23], [sflag:$0x4], $0x80, s17, s21, $0xb8;
	[tilespmem:$0x1F800] =	vst v63  }
0x9f: {  	_ =	swait.ge [sflag:s19], $0x4000  }
0xa0: {  	[sflag:s19] =	ssyncset.done $0x0  }
0xa1: {  	[sflag:s19] =	ssyncadd.s32 $0xFFFFC000  }
0xa2: {  	v2 =	vld [tilespmem:s17+$0x0];
	_ =	sdelay $0x7  }
0xa3: {  	[tilespmem:v2+s24+$0x0] =	vst.idx.add.f32.msk $0xffff, v1  }
0xa4: {  	v2 =	vld [tilespmem:s31+$0x190];
	_ =	sdelay $0x7  }
0xa5: {  	[tilespmem:v2+s24+$0x0] =	vst.idx.add.f32.msk $0xffff, v1  }
0xa6: {  	v2 =	vld [tilespmem:s31+$0x1A0];
	_ =	sdelay $0x7  }
0xa7: {  	[tilespmem:v2+s24+$0x0] =	vst.idx.add.f32.msk $0xffff, v1  }
0xa8: {  	v2 =	vld [tilespmem:s31+$0x1B0];
	_ =	sdelay $0x7  }
0xa9: {  	[tilespmem:v2+s24+$0x0] =	vst.idx.add.f32.msk $0xffff, v1  }
0xaa: {  	v2 =	vld [tilespmem:s31+$0x1C0];
	_ =	sdelay $0x7  }
0xab: {  	[tilespmem:v2+s24+$0x0] =	vst.idx.add.f32.msk $0xffff, v1  }
0xac: {  	v2 =	vld [tilespmem:s31+$0x1D0];
	_ =	sdelay $0x7  }
0xad: {  	[tilespmem:v2+s24+$0x0] =	vst.idx.add.f32.msk $0xffff, v1  }
0xae: {  	v2 =	vld [tilespmem:s31+$0x1E0];
	_ =	sdelay $0x7  }
0xaf: {  	[tilespmem:v2+s24+$0x0] =	vst.idx.add.f32.msk $0xffff, v1  }
0xb0: {  	v2 =	vld [tilespmem:s31+$0x1F0];
	_ =	sdelay $0x7  }
0xb1: {  	[tilespmem:v2+s24+$0x0] =	vst.idx.add.f32.msk $0xffff, v1  }
0xb2: {  	_ =	swait.ge [sflag:s22], $0x4000  }
0xb3: {  	[sflag:s22] =	ssyncset.done $0x0  }
0xb4: {  	s17 =	sor.u32 $0xA80, s31;
	[sflag:s22] =	ssyncadd.s32 $0xFFFFC000  }
0xb5: {  	[tilespmem:s23], [sflag:$0x2] =	stream.indirect.gather [hbm4b:s1+s21], $0x80, s17, s21, $0xb8;
	[tilespmem:$0x1F800] =	vst v63  }
0xb6: {  	s17 =	sor.u32 $0x200, s31  }
0xb7: {  	[spmem:s3] =	stream.indirect.scatter.add.f32 [tilespmem:s18], [sflag:$0x4], $0x80, s17, s21, $0xb8;
	[tilespmem:$0x1F800] =	vst v63  }
0xb8: {  	_ =	swait.ge [sflag:s19], $0x4000  }
0xb9: {  	[sflag:s19] =	ssyncset.done $0x0  }
0xba: {  	[sflag:s19] =	ssyncadd.s32 $0xFFFFC000  }
0xbb: {  	v2 =	vld [tilespmem:s17+$0x0];
	_ =	sdelay $0x7  }
0xbc: {  	[tilespmem:v2+s24+$0x0] =	vst.idx.add.f32.msk $0xffff, v1  }
0xbd: {  	v2 =	vld [tilespmem:s31+$0x210];
	_ =	sdelay $0x7  }
0xbe: {  	[tilespmem:v2+s24+$0x0] =	vst.idx.add.f32.msk $0xffff, v1  }
0xbf: {  	v2 =	vld [tilespmem:s31+$0x220];
	_ =	sdelay $0x7  }
0xc0: {  	[tilespmem:v2+s24+$0x0] =	vst.idx.add.f32.msk $0xffff, v1  }
0xc1: {  	v2 =	vld [tilespmem:s31+$0x230];
	_ =	sdelay $0x7  }
0xc2: {  	[tilespmem:v2+s24+$0x0] =	vst.idx.add.f32.msk $0xffff, v1  }
0xc3: {  	v2 =	vld [tilespmem:s31+$0x240];
	_ =	sdelay $0x7  }
0xc4: {  	[tilespmem:v2+s24+$0x0] =	vst.idx.add.f32.msk $0xffff, v1  }
0xc5: {  	v2 =	vld [tilespmem:s31+$0x250];
	_ =	sdelay $0x7  }
0xc6: {  	[tilespmem:v2+s24+$0x0] =	vst.idx.add.f32.msk $0xffff, v1  }
0xc7: {  	v2 =	vld [tilespmem:s31+$0x260];
	_ =	sdelay $0x7  }
0xc8: {  	[tilespmem:v2+s24+$0x0] =	vst.idx.add.f32.msk $0xffff, v1  }
0xc9: {  	v2 =	vld [tilespmem:s31+$0x270];
	_ =	sdelay $0x7  }
0xca: {  	[tilespmem:v2+s24+$0x0] =	vst.idx.add.f32.msk $0xffff, v1  }
0xcb: {  	_ =	swait.ge [sflag:s25], $0x4000  }
0xcc: {  	[sflag:s25] =	ssyncset.done $0x0  }
0xcd: {  	s17 =	sor.u32 $0xB00, s31;
	[sflag:s25] =	ssyncadd.s32 $0xFFFFC000  }
0xce: {  	[tilespmem:s18], [sflag:$0x1] =	stream.indirect.gather [hbm4b:s1+s21], $0x80, s17, s21, $0xb8;
	[tilespmem:$0x1F800] =	vst v63  }
0xcf: {  	s17 =	sor.u32 $0x280, s31  }
0xd0: {  	[spmem:s3] =	stream.indirect.scatter.add.f32 [tilespmem:s23], [sflag:$0x4], $0x80, s17, s21, $0xb8;
	[tilespmem:$0x1F800] =	vst v63  }
0xd1: {  	_ =	swait.ge [sflag:s19], $0x4000  }
0xd2: {  	[sflag:s19] =	ssyncset.done $0x0  }
0xd3: {  	[sflag:s19] =	ssyncadd.s32 $0xFFFFC000  }
0xd4: {  	v2 =	vld [tilespmem:s17+$0x0];
	_ =	sdelay $0x7  }
0xd5: {  	[tilespmem:v2+s24+$0x0] =	vst.idx.add.f32.msk $0xffff, v1  }
0xd6: {  	v2 =	vld [tilespmem:s31+$0x290];
	_ =	sdelay $0x7  }
0xd7: {  	[tilespmem:v2+s24+$0x0] =	vst.idx.add.f32.msk $0xffff, v1  }
0xd8: {  	v2 =	vld [tilespmem:s31+$0x2A0];
	_ =	sdelay $0x7  }
0xd9: {  	[tilespmem:v2+s24+$0x0] =	vst.idx.add.f32.msk $0xffff, v1  }
0xda: {  	v2 =	vld [tilespmem:s31+$0x2B0];
	_ =	sdelay $0x7  }
0xdb: {  	[tilespmem:v2+s24+$0x0] =	vst.idx.add.f32.msk $0xffff, v1  }
0xdc: {  	v2 =	vld [tilespmem:s31+$0x2C0];
	_ =	sdelay $0x7  }
0xdd: {  	[tilespmem:v2+s24+$0x0] =	vst.idx.add.f32.msk $0xffff, v1  }
0xde: {  	v2 =	vld [tilespmem:s31+$0x2D0];
	_ =	sdelay $0x7  }
0xdf: {  	[tilespmem:v2+s24+$0x0] =	vst.idx.add.f32.msk $0xffff, v1  }
0xe0: {  	v2 =	vld [tilespmem:s31+$0x2E0];
	_ =	sdelay $0x7  }
0xe1: {  	[tilespmem:v2+s24+$0x0] =	vst.idx.add.f32.msk $0xffff, v1  }
0xe2: {  	v2 =	vld [tilespmem:s31+$0x2F0];
	_ =	sdelay $0x7  }
0xe3: {  	[tilespmem:v2+s24+$0x0] =	vst.idx.add.f32.msk $0xffff, v1  }
0xe4: {  	_ =	swait.ge [sflag:s22], $0x4000  }
0xe5: {  	[sflag:s22] =	ssyncset.done $0x0  }
0xe6: {  	s17 =	sor.u32 $0xB80, s31;
	[sflag:s22] =	ssyncadd.s32 $0xFFFFC000  }
0xe7: {  	[tilespmem:s23], [sflag:$0x2] =	stream.indirect.gather [hbm4b:s1+s21], $0x80, s17, s21, $0xb8;
	[tilespmem:$0x1F800] =	vst v63  }
0xe8: {  	s17 =	sor.u32 $0x300, s31  }
0xe9: {  	[spmem:s3] =	stream.indirect.scatter.add.f32 [tilespmem:s18], [sflag:$0x4], $0x80, s17, s21, $0xb8;
	[tilespmem:$0x1F800] =	vst v63  }
0xea: {  	_ =	swait.ge [sflag:s19], $0x4000  }
0xeb: {  	[sflag:s19] =	ssyncset.done $0x0  }
0xec: {  	[sflag:s19] =	ssyncadd.s32 $0xFFFFC000  }
0xed: {  	v2 =	vld [tilespmem:s17+$0x0];
	_ =	sdelay $0x7  }
0xee: {  	[tilespmem:v2+s24+$0x0] =	vst.idx.add.f32.msk $0xffff, v1  }
0xef: {  	v2 =	vld [tilespmem:s31+$0x310];
	_ =	sdelay $0x7  }
0xf0: {  	[tilespmem:v2+s24+$0x0] =	vst.idx.add.f32.msk $0xffff, v1  }
0xf1: {  	v2 =	vld [tilespmem:s31+$0x320];
	_ =	sdelay $0x7  }
0xf2: {  	[tilespmem:v2+s24+$0x0] =	vst.idx.add.f32.msk $0xffff, v1  }
0xf3: {  	v2 =	vld [tilespmem:s31+$0x330];
	_ =	sdelay $0x7  }
0xf4: {  	[tilespmem:v2+s24+$0x0] =	vst.idx.add.f32.msk $0xffff, v1  }
0xf5: {  	v2 =	vld [tilespmem:s31+$0x340];
	_ =	sdelay $0x7  }
0xf6: {  	[tilespmem:v2+s24+$0x0] =	vst.idx.add.f32.msk $0xffff, v1  }
0xf7: {  	v2 =	vld [tilespmem:s31+$0x350];
	_ =	sdelay $0x7  }
0xf8: {  	[tilespmem:v2+s24+$0x0] =	vst.idx.add.f32.msk $0xffff, v1  }
0xf9: {  	v2 =	vld [tilespmem:s31+$0x360];
	_ =	sdelay $0x7  }
0xfa: {  	[tilespmem:v2+s24+$0x0] =	vst.idx.add.f32.msk $0xffff, v1  }
0xfb: {  	v2 =	vld [tilespmem:s31+$0x370];
	_ =	sdelay $0x7  }
0xfc: {  	[tilespmem:v2+s24+$0x0] =	vst.idx.add.f32.msk $0xffff, v1  }
0xfd: {  	_ =	swait.ge [sflag:s25], $0x4000  }
0xfe: {  	[sflag:s25] =	ssyncset.done $0x0  }
0xff: {  	s17 =	sor.u32 $0x380, s31;
	[sflag:s25] =	ssyncadd.s32 $0xFFFFC000  }
0x100: {  	[spmem:s3] =	stream.indirect.scatter.add.f32 [tilespmem:s23], [sflag:$0x4], $0x80, s17, s21, $0xb8;
	[tilespmem:$0x1F800] =	vst v63  }
0x101: {  	_ =	swait.ge [sflag:s19], $0x4000  }
0x102: {  	[sflag:s19] =	ssyncset.done $0x0  }
0x103: {  	[sflag:s19] =	ssyncadd.s32 $0xFFFFC000  }
0x104: {  	v2 =	vld [tilespmem:s17+$0x0];
	_ =	sdelay $0x7  }
0x105: {  	[tilespmem:v2+s24+$0x0] =	vst.idx.add.f32.msk $0xffff, v1  }
0x106: {  	v2 =	vld [tilespmem:s31+$0x390];
	_ =	sdelay $0x7  }
0x107: {  	[tilespmem:v2+s24+$0x0] =	vst.idx.add.f32.msk $0xffff, v1  }
0x108: {  	v2 =	vld [tilespmem:s31+$0x3A0];
	_ =	sdelay $0x7  }
0x109: {  	[tilespmem:v2+s24+$0x0] =	vst.idx.add.f32.msk $0xffff, v1  }
0x10a: {  	v2 =	vld [tilespmem:s31+$0x3B0];
	_ =	sdelay $0x7  }
0x10b: {  	[tilespmem:v2+s24+$0x0] =	vst.idx.add.f32.msk $0xffff, v1  }
0x10c: {  	v2 =	vld [tilespmem:s31+$0x3C0];
	_ =	sdelay $0x7  }
0x10d: {  	[tilespmem:v2+s24+$0x0] =	vst.idx.add.f32.msk $0xffff, v1  }
0x10e: {  	v2 =	vld [tilespmem:s31+$0x3D0];
	_ =	sdelay $0x7  }
0x10f: {  	[tilespmem:v2+s24+$0x0] =	vst.idx.add.f32.msk $0xffff, v1  }
0x110: {  	v2 =	vld [tilespmem:s31+$0x3E0];
	_ =	sdelay $0x7  }
0x111: {  	[tilespmem:v2+s24+$0x0] =	vst.idx.add.f32.msk $0xffff, v1  }
0x112: {  	v2 =	vld [tilespmem:s31+$0x3F0];
	_ =	sdelay $0x1  }
0x113: {  	s28 =	sadd.s32 $0x400, s28  }
0x114: {  	p0 =	sne.s32 s28, $0x2800  }
.Ltmp2:
0x115: {  	_ = 	snop;
	(pc) =	sbr.rel @p0 .LBB2_6-.Ltmp2, $2  }
0x116: {  	_ =	sdelay $0x2  }
0x117: {  	s29 =	sadd.s32 $0x80, s29;
	s30 =	sadd.s32 $0x80, s30;
	[tilespmem:v2+s24+$0x0] =	vst.idx.add.f32.msk $0xffff, v1  }
0x118: {  	[bflag:$0x0] =	sbarrier.arrive $0xFFFF  }
0x119: {  	[hbm4b:s12+s4] =	stream.linear.scatter [tilespmem:s24], [sflag:$0x4], $0x2800, $0x38;
	[tilespmem:$0x1F800] =	vst v63  }
0x11a: {  	s0 =	sshll.u32 s2, $0x6;
	s26 =	sadd.s32 $0x1, s26;
	_ =	swait.ge [sflag:s19], $0x2800  }
0x11b: {  	s17 =	sshrl.u32 s5, $0x3;
	p0 =	sne.s32 s26, s14;
	[sflag:s19] =	ssyncset.done $0x0  }
.Ltmp3:
0x11c: {  	s0 =	sor.u32 $0x1C04, s0;
	[sflag:s19] =	ssyncadd.s32 $0xFFFFD800;
	(pc) =	sbr.rel @p0 .LBB2_1-.Ltmp3, $4  }
0x11d: {  	[hbm:s13], [sflag:s0] =	dma.local [spmem:s17], $0x2800  }
0x11e: {  	_ =	swait.ge [sflag:s19], $0x2800  }
0x11f: {  	[sflag:s19] =	ssyncset.done $0x0  }
0x120: {  	[sflag:s19] =	ssyncadd.s32 $0xFFFFD800  }
0x121: {  	_ =	sfence.sel $0x180000  }
0x122: {  	[bflag:$0x0] =	sbarrier.arrive $0xFFFF  }
0x123: {  	_ =	strace $0x90000047  }
0x124: {  	[bflag:$0x2] =	sbarrier.arrive $0xFFFF  }
0x125: {  	p0 =	sne.s32 s2, $0x0;
	s0 =	rddreg [dreg:$0x4]  }
0x126: {  	s0 =	sadd.s32 @!p0 $0x100000, s0  }
0x127: {  	[sflag:s0] =	ssyncadd.tile.s32 @!p0 $0x1;
	_ =	shalt  }
.Lfunc_end2:
_tile_overlayer_lowered:
.L_overlay_start_2:
0x128: {  	(tag) =	ssettag $0x2  }
0x129: {  	s0 =	rddreg [dreg:$0x0];
	s2 =	stileid.u32  }
0x12a: {  	s1 =	rddreg [dreg:$0x1];
	p0 =	sne.s32 s2, $0x0  }
0x12b: {  	s3 =	rddreg [dreg:$0x2];
	[bflag:$0x3] =	sbarrier.arrive $0xFFFF;
	s2 =	simm.s32 @!p0 $0x1C04  }
0x12c: {  	[timem:s3], [sflag:s2] =	dma.local @!p0 [hbm:s0], s1  }
0x12d: {  	s0 =	simm.s32 @!p0 $0x4  }
0x12e: {  	_ =	swait.ge @!p0 [sflag:s0], s1  }
0x12f: {  	s1 =	ssub.s32 @!p0 $0x0, s1;
	[sflag:s0] =	ssyncset.done @!p0 $0x0  }
0x130: {  	[sflag:s0] =	ssyncadd.s32 @!p0 s1  }
0x131: {  	[bflag:$0x3] =	sbarrier.arrive $0xFFFF  }
0x132: {  	_ =	shalt  }

</sc_bundles>
